<compile_context>
chip_gen: v7x
topology: tpu7x:2x2x1
jax: 0.10.2.dev20260603
libtpu: 0.0.44.dev20260713+nightly
codegen_flags: <defaults>
</compile_context>

<pallas_src>
import functools

import jax
import jax.numpy as jnp
from jax import lax
from jax.experimental import pallas as pl
from jax.experimental.pallas import tpu as pltpu
from jax.experimental.pallas import tpu_sc as plsc

N = 10000
D = 128
H = D // 2
E = 320000

NP = 10240
OWN = 5000
NA = 5120
CHUNK = 128
CPT = 160
EPT = CPT * CHUNK
E_PAD = 16 * EPT
ROWS_PER_TILE = NA // 16
NBLK = 1024
PBLK = 1000


def _pre_body(x_ref, wm_ref, bm_ref, a_ref, b_ref):
    x = x_ref[...]
    dn = (((1,), (1,)), ((), ()))
    a_ref[0] = lax.dot_general(x, wm_ref[:, :D], dn,
                               preferred_element_type=jnp.float32) + bm_ref[0]
    b_ref[0] = lax.dot_general(x, wm_ref[:, D:], dn,
                               preferred_element_type=jnp.float32)


_pre_call = pl.pallas_call(
    _pre_body,
    grid=(2, NP // NBLK),
    in_specs=[
        pl.BlockSpec((NBLK, D), lambda h, i: (i, 0)),
        pl.BlockSpec((H, 2 * D), lambda h, i: (h, 0)),
        pl.BlockSpec((1, 1, H), lambda h, i: (h, 0, 0)),
    ],
    out_specs=[
        pl.BlockSpec((1, NBLK, H), lambda h, i: (h, i, 0)),
        pl.BlockSpec((1, NBLK, H), lambda h, i: (h, i, 0)),
    ],
    out_shape=[
        jax.ShapeDtypeStruct((2, NP, H), jnp.float32),
        jax.ShapeDtypeStruct((2, NP, H), jnp.float32),
    ],
)


_mesh = plsc.VectorSubcoreMesh(core_axis_name="c", subcore_axis_name="s")


@functools.partial(
    pl.kernel,
    mesh=_mesh,
    compiler_params=pltpu.CompilerParams(use_tc_tiling_on_sc=False),
    out_type=[
        jax.ShapeDtypeStruct((2, 2, NA, H), jnp.float32),
        jax.ShapeDtypeStruct((2, NA, 16), jnp.float32),
    ],
    scratch_types=[
        pltpu.VMEM((CPT, CHUNK), jnp.int32),
        pltpu.VMEM((CPT, CHUNK), jnp.int32),
        pltpu.VMEM((CPT, CHUNK), jnp.int32),
        pltpu.VMEM((CHUNK, H), jnp.float32),
        pltpu.VMEM((CHUNK, H), jnp.float32),
        pltpu.VMEM((CHUNK, H), jnp.float32),
        pltpu.VMEM((CHUNK, 16), jnp.float32),
        pltpu.VMEM_SHARED((NA, H), jnp.float32),
        pltpu.VMEM_SHARED((NA, 16), jnp.float32),
        pltpu.SemaphoreType.DMA,
    ],
)
def _sc_call(a_hbm, b_hbm, src_hbm, tgt_hbm, msg_out, cnt_out,
             src_adj, tgt_adj, loc_idx, bufa, bufb, msgb, cntb,
             acc_msg, acc_cnt, sem):
    cid = lax.axis_index("c")
    sid = lax.axis_index("s")
    row0 = sid * ROWS_PER_TILE

    zero16 = jnp.zeros((16,), jnp.float32)
    onehot = jnp.where(lax.iota(jnp.int32, 16) == 0, 1.0, 0.0).astype(jnp.float32)

    pltpu.sync_copy(src_hbm.at[pl.ds(sid * CPT, CPT)], src_adj)
    pltpu.sync_copy(tgt_hbm.at[pl.ds(sid * CPT, CPT)], tgt_adj)
    cofs = cid * NP

    def bias_body(r, carry):
        for j in range(CHUNK // 16):
            sl = pl.ds(j * 16, 16)
            src_adj[r, sl] = src_adj[r, sl] + cofs
            tgt_adj[r, sl] = tgt_adj[r, sl] + cofs
        return carry

    lax.fori_loop(0, CPT, bias_body, 0)

    for phase in range(2):
        def zbody(e, carry):
            for j in range(H // 16):
                msgb[e, pl.ds(j * 16, 16)] = zero16
            cntb[e, :] = zero16
            return carry

        lax.fori_loop(0, CHUNK, zbody, 0)
        for t in range(ROWS_PER_TILE // CHUNK):
            pltpu.sync_copy(msgb, acc_msg.at[pl.ds(row0 + t * CHUNK, CHUNK)])
            pltpu.sync_copy(cntb, acc_cnt.at[pl.ds(row0 + t * CHUNK, CHUNK)])
        rem = ROWS_PER_TILE % CHUNK
        if rem:
            base = row0 + (ROWS_PER_TILE // CHUNK) * CHUNK
            pltpu.sync_copy(msgb.at[pl.ds(0, rem)],
                            acc_msg.at[pl.ds(base, rem)])
            pltpu.sync_copy(cntb.at[pl.ds(0, rem)],
                            acc_cnt.at[pl.ds(base, rem)])

        def obody(e, carry):
            cntb[e, :] = onehot
            return carry

        lax.fori_loop(0, CHUNK, obody, 0)
        lo = cofs + phase * OWN

        def loc_body(r, carry):
            for j in range(CHUNK // 16):
                sl = pl.ds(j * 16, 16)
                lt = tgt_adj[r, sl] - lo
                valid = (lt >= 0) & (lt < OWN)
                loc_idx[r, sl] = jnp.where(valid, lt, OWN)
            return carry

        lax.fori_loop(0, CPT, loc_body, 0)
        plsc.subcore_barrier()

        def chunk_body(i, carry):
            pltpu.async_copy(a_hbm.at[src_adj.at[i]], bufa, sem).wait()
            pltpu.async_copy(b_hbm.at[tgt_adj.at[i]], bufb, sem).wait()

            def ebody(e, c2):
                for j in range(H // 16):
                    sl = pl.ds(j * 16, 16)
                    msgb[e, sl] = jnp.maximum(bufa[e, sl] + bufb[e, sl], 0.0)
                return c2

            lax.fori_loop(0, CHUNK, ebody, 0)
            pltpu.sync_copy(msgb, acc_msg.at[loc_idx.at[i]], add=True)

            @pl.when(cid == 0)
            def _():
                pltpu.sync_copy(cntb, acc_cnt.at[loc_idx.at[i]], add=True)

            return carry

        lax.fori_loop(0, CPT, chunk_body, 0)
        plsc.subcore_barrier()

        pltpu.sync_copy(acc_msg.at[pl.ds(row0, ROWS_PER_TILE)],
                        msg_out.at[cid, phase, pl.ds(row0, ROWS_PER_TILE)])

        @pl.when(cid == 0)
        def _():
            pltpu.sync_copy(acc_cnt.at[pl.ds(row0, ROWS_PER_TILE)],
                            cnt_out.at[phase, pl.ds(row0, ROWS_PER_TILE)])

        plsc.subcore_barrier()


def _post_body(x_ref, mp_ref, cp_ref, wu_ref, bu_ref, g_ref, bt_ref, o_ref):
    x = x_ref[...]
    cnt = jnp.maximum(cp_ref[0][:, 0:1], 1.0)
    m0 = mp_ref[0, 0] / cnt
    m1 = mp_ref[1, 0] / cnt
    dn = (((1,), (1,)), ((), ()))
    upd = (lax.dot_general(x, wu_ref[:, :D], dn, preferred_element_type=jnp.float32)
           + lax.dot_general(m0, wu_ref[:, D:D + H], dn,
                             preferred_element_type=jnp.float32)
           + lax.dot_general(m1, wu_ref[:, D + H:], dn,
                             preferred_element_type=jnp.float32)
           + bu_ref[...])
    h = jnp.maximum(upd, 0.0) + x
    mean = jnp.mean(h, axis=-1, keepdims=True)
    var = jnp.mean((h - mean) * (h - mean), axis=-1, keepdims=True)
    o_ref[...] = (h - mean) / jnp.sqrt(var + 1e-5) * g_ref[...] + bt_ref[...]


_post_call = pl.pallas_call(
    _post_body,
    grid=(N // PBLK,),
    in_specs=[
        pl.BlockSpec((PBLK, D), lambda i: (i, 0)),
        pl.BlockSpec((2, 1, PBLK, D // 2), lambda i: (0, i // 5, i % 5, 0)),
        pl.BlockSpec((1, PBLK, 16), lambda i: (i // 5, i % 5, 0)),
        pl.BlockSpec((D, 2 * D), lambda i: (0, 0)),
        pl.BlockSpec((1, D), lambda i: (0, 0)),
        pl.BlockSpec((1, D), lambda i: (0, 0)),
        pl.BlockSpec((1, D), lambda i: (0, 0)),
    ],
    out_specs=pl.BlockSpec((PBLK, D), lambda i: (i, 0)),
    out_shape=jax.ShapeDtypeStruct((N, D), jnp.float32),
)


def kernel(node_features, edge_index, W_msg, b_msg, W_upd, b_upd, gamma, beta):
    xp = jnp.pad(node_features, ((0, NP - N), (0, 0)))
    a, b = _pre_call(xp, W_msg, b_msg.reshape(2, 1, H))
    a = a.reshape(2 * NP, H)
    b = b.reshape(2 * NP, H)

    src_p = jnp.pad(edge_index[0], (0, E_PAD - E)).reshape(16 * CPT, CHUNK)
    tgt_p = jnp.pad(edge_index[1], (0, E_PAD - E),
                    constant_values=N).reshape(16 * CPT, CHUNK)

    msg_part, cnt_part = _sc_call(a, b, src_p, tgt_p)

    return _post_call(node_features, msg_part, cnt_part, W_upd,
                      b_upd.reshape(1, D), gamma.reshape(1, D),
                      beta.reshape(1, D))

# --- scband reference (transcript-rebuilt; emitter-appended) ---
"""Pipeline reference for scband-message-passing-layer-55499567399293 (READ-ONLY COPY).

The authoritative reference and input builder live on the scoring server;
editing this copy changes nothing except your own understanding.
"""

import jax, jax.numpy as jnp
import numpy as np

N = 10000
D = 128
E = 320000

def setup_inputs(seed: int = 0) -> dict:
    key = jax.random.key(seed)
    k1, k2, k3, k4, k5, k6, k7 = jax.random.split(key, 7)
    node_features = jax.random.normal(k1, (N, D), dtype=jnp.float32)
    edge_index = jax.random.randint(k2, (2, E), 0, N, dtype=jnp.int32)
    bound_msg = 1.0 / np.sqrt(2 * D)
    bound_upd = 1.0 / np.sqrt(2 * D)
    W_msg = jax.random.uniform(k3, (D, 2 * D), dtype=jnp.float32, minval=-bound_msg, maxval=bound_msg)
    b_msg = jax.random.uniform(k4, (D,), dtype=jnp.float32, minval=-bound_msg, maxval=bound_msg)
    W_upd = jax.random.uniform(k5, (D, 2 * D), dtype=jnp.float32, minval=-bound_upd, maxval=bound_upd)
    b_upd = jax.random.uniform(k6, (D,), dtype=jnp.float32, minval=-bound_upd, maxval=bound_upd)
    gamma = jnp.ones((D,), dtype=jnp.float32)
    beta = jnp.zeros((D,), dtype=jnp.float32)
    return {
        "node_features": node_features,
        "edge_index": edge_index,
        "W_msg": W_msg,
        "b_msg": b_msg,
        "W_upd": W_upd,
        "b_upd": b_upd,
        "gamma": gamma,
        "beta": beta,
    }

def _layer_norm(h, gamma, beta, eps=1e-5):
    mean = jnp.mean(h, axis=-1, keepdims=True)
    var = jnp.var(h, axis=-1, keepdims=True)
    return (h - mean) / jnp.sqrt(var + eps) * gamma + beta

def reference(node_features, edge_index, W_msg, b_msg, W_upd, b_upd, gamma, beta):
    n = node_features.shape[0]
    src_idx = edge_index[0]
    tgt_idx = edge_index[1]
    msg_input = jnp.concatenate([node_features[src_idx], node_features[tgt_idx]], axis=-1)
    msg = jax.nn.relu(msg_input @ W_msg.T + b_msg)
    messages = jnp.zeros_like(node_features).at[tgt_idx].add(msg)
    ones = jnp.ones((tgt_idx.shape[0], 1), dtype=node_features.dtype)
    counts = jnp.zeros((n, 1), dtype=node_features.dtype).at[tgt_idx].add(ones)
    counts = jnp.maximum(counts, 1.0)
    messages = messages / counts
    update_input = jnp.concatenate([node_features, messages], axis=-1)
    updated = jax.nn.relu(update_input @ W_upd.T + b_upd)
    return _layer_norm(updated + node_features, gamma, beta)

if __name__ == "__main__":
    import jax
    _d = setup_inputs()
    print(jax.jit(kernel)(*tuple(_d.values())))

</pallas_src>

<mosaic_0001>
#map = affine_map<(d0, d1) -> (0, 0)>
#map1 = affine_map<(d0, d1) -> (0, 0, 0, 0)>
#map2 = affine_map<(d0, d1) -> (0, 0, 0)>
module attributes {stable_mosaic.version = 14 : i64} {
  func.func @_sc_call(%arg0: i32, %arg1: i32, %arg2: memref<20480x64xf32, #tpu.memory_space<hbm>>, %arg3: memref<20480x64xf32, #tpu.memory_space<hbm>>, %arg4: memref<2560x128xi32, #tpu.memory_space<hbm>>, %arg5: memref<2560x128xi32, #tpu.memory_space<hbm>>, %arg6: memref<2x2x5120x64xf32, #tpu.memory_space<hbm>>, %arg7: memref<2x5120x16xf32, #tpu.memory_space<hbm>>, %arg8: memref<160x128xi32, #tpu.memory_space<vmem>>, %arg9: memref<160x128xi32, #tpu.memory_space<vmem>>, %arg10: memref<160x128xi32, #tpu.memory_space<vmem>>, %arg11: memref<128x64xf32, #tpu.memory_space<vmem>>, %arg12: memref<128x64xf32, #tpu.memory_space<vmem>>, %arg13: memref<128x64xf32, #tpu.memory_space<vmem>>, %arg14: memref<128x16xf32, #tpu.memory_space<vmem>>, %arg15: memref<5120x64xf32, #tpu.memory_space<vmem_shared>>, %arg16: memref<5120x16xf32, #tpu.memory_space<vmem_shared>>, %arg17: memref<!tpu.dma_semaphore, #tpu.memory_space<semaphore_mem>>) attributes {dimension_semantics = [#tpu.dimension_semantics<core_parallel>, #tpu.dimension_semantics<subcore_parallel>], iteration_bounds = array<i64: 2, 16>, scalar_prefetch = 0 : i64, scratch_operands = 10 : i64, tpu.core_type = #tpu.core_type<sc_vector_subcore>, window_params = [{transform_indices = #map}, {transform_indices = #map}, {transform_indices = #map}, {transform_indices = #map}, {transform_indices = #map1}, {transform_indices = #map2}]} {
    %mul3A = arith.constant 320 : i32
    %mul3A_0 = arith.muli %arg1, %mul3A : i32
    %broadcast_in_dim3A = arith.constant 0.000000e+00 : f32
    %broadcast_in_dim3A_1 = vector.broadcast %broadcast_in_dim3A : f32 to vector<16xf32>
    %iota3A = tpu.iota {dimensions = array<i32: 0>} : vector<16xi32>
    %eq3A = arith.constant 0 : i32
    %eq3A_2 = vector.broadcast %eq3A : i32 to vector<16xi32>
    %eq3A_3 = arith.cmpi eq, %iota3A, %eq3A_2 : vector<16xi32>
    %jit3A = arith.constant 1.000000e+00 : f32
    %jit3A_4 = arith.constant 0.000000e+00 : f32
    %broadcast_in_dim3A_5 = vector.broadcast %jit3A : f32 to vector<16xf32>
    %broadcast_in_dim3A_6 = vector.broadcast %jit3A_4 : f32 to vector<16xf32>
    %select_n3A = arith.select %eq3A_3, %broadcast_in_dim3A_5, %broadcast_in_dim3A_6 : vector<16xi1>, vector<16xf32>
    %mul3A_7 = arith.constant 160 : i32
    %mul3A_8 = arith.muli %arg1, %mul3A_7 : i32
    "tpu.region"() ({
      %run_scoped3A_103 = tpu.sem_alloc : memref<!tpu.dma_semaphore, #tpu.memory_space<semaphore_mem>>
      %dma_start3A = arith.constant 0 : i32
      %dma_start3A_104 = tpu.memref_slice %arg4[%mul3A_8, %dma_start3A] : memref<2560x128xi32, #tpu.memory_space<hbm>> -> memref<160x128xi32, #tpu.memory_space<hbm>>
      %dma_start3A_105 = arith.constant 0 : i32
      %dma_start3A_106 = tpu.memref_slice %arg4[%mul3A_8, %dma_start3A_105] : memref<2560x128xi32, #tpu.memory_space<hbm>> -> memref<160x128xi32, #tpu.memory_space<hbm>>
      tpu.enqueue_dma source(%dma_start3A_106 : memref<160x128xi32, #tpu.memory_space<hbm>>) target(%arg8 : memref<160x128xi32, #tpu.memory_space<vmem>>) target_semaphore(%run_scoped3A_103 : memref<!tpu.dma_semaphore, #tpu.memory_space<semaphore_mem>>)
      %dma_wait3A = arith.constant 0 : i32
      %dma_wait3A_107 = tpu.memref_slice %arg4[%mul3A_8, %dma_wait3A] : memref<2560x128xi32, #tpu.memory_space<hbm>> -> memref<160x128xi32, #tpu.memory_space<hbm>>
      %dma_wait3A_108 = arith.constant 0 : i32
      %dma_wait3A_109 = tpu.memref_slice %arg4[%mul3A_8, %dma_wait3A_108] : memref<2560x128xi32, #tpu.memory_space<hbm>> -> memref<160x128xi32, #tpu.memory_space<hbm>>
      tpu.wait_dma2 semaphore(%run_scoped3A_103 : memref<!tpu.dma_semaphore, #tpu.memory_space<semaphore_mem>>) src(%dma_wait3A_109 : memref<160x128xi32, #tpu.memory_space<hbm>>) dst(%arg8 : memref<160x128xi32, #tpu.memory_space<vmem>>)
      tpu.yield
    }) : () -> ()
    %mul3A_9 = arith.constant 160 : i32
    %mul3A_10 = arith.muli %arg1, %mul3A_9 : i32
    "tpu.region"() ({
      %run_scoped3A_103 = tpu.sem_alloc : memref<!tpu.dma_semaphore, #tpu.memory_space<semaphore_mem>>
      %dma_start3A = arith.constant 0 : i32
      %dma_start3A_104 = tpu.memref_slice %arg5[%mul3A_10, %dma_start3A] : memref<2560x128xi32, #tpu.memory_space<hbm>> -> memref<160x128xi32, #tpu.memory_space<hbm>>
      %dma_start3A_105 = arith.constant 0 : i32
      %dma_start3A_106 = tpu.memref_slice %arg5[%mul3A_10, %dma_start3A_105] : memref<2560x128xi32, #tpu.memory_space<hbm>> -> memref<160x128xi32, #tpu.memory_space<hbm>>
      tpu.enqueue_dma source(%dma_start3A_106 : memref<160x128xi32, #tpu.memory_space<hbm>>) target(%arg9 : memref<160x128xi32, #tpu.memory_space<vmem>>) target_semaphore(%run_scoped3A_103 : memref<!tpu.dma_semaphore, #tpu.memory_space<semaphore_mem>>)
      %dma_wait3A = arith.constant 0 : i32
      %dma_wait3A_107 = tpu.memref_slice %arg5[%mul3A_10, %dma_wait3A] : memref<2560x128xi32, #tpu.memory_space<hbm>> -> memref<160x128xi32, #tpu.memory_space<hbm>>
      %dma_wait3A_108 = arith.constant 0 : i32
      %dma_wait3A_109 = tpu.memref_slice %arg5[%mul3A_10, %dma_wait3A_108] : memref<2560x128xi32, #tpu.memory_space<hbm>> -> memref<160x128xi32, #tpu.memory_space<hbm>>
      tpu.wait_dma2 semaphore(%run_scoped3A_103 : memref<!tpu.dma_semaphore, #tpu.memory_space<semaphore_mem>>) src(%dma_wait3A_109 : memref<160x128xi32, #tpu.memory_space<hbm>>) dst(%arg9 : memref<160x128xi32, #tpu.memory_space<vmem>>)
      tpu.yield
    }) : () -> ()
    %mul3A_11 = arith.constant 10240 : i32
    %mul3A_12 = arith.muli %arg0, %mul3A_11 : i32
    %scan3A = arith.constant 0 : i32
    %scan3A_13 = arith.constant 0 : i32
    %scan3A_14 = arith.constant 160 : i32
    %scan3A_15 = arith.addi %scan3A_13, %scan3A_14 : i32
    %scan3A_16 = arith.constant 1 : i32
    scf.for %scan3A_103 = %scan3A_13 to %scan3A_15 step %scan3A_16  : i32 {
      %get3A = arith.index_cast %scan3A_103 : i32 to index
      %get3A_104 = arith.constant 0 : index
      %get3A_105 = tpu.vector_load %arg8[%get3A, %get3A_104] {strides = array<i32>} : memref<160x128xi32, #tpu.memory_space<vmem>>, vector<1x16xi32>,
      %get3A_106 = vector.shape_cast %get3A_105 : vector<1x16xi32> to vector<16xi32>
      %add3A_107 = vector.broadcast %mul3A_12 : i32 to vector<16xi32>
      %add3A_108 = arith.addi %get3A_106, %add3A_107 : vector<16xi32>
      %swap3A = arith.index_cast %scan3A_103 : i32 to index
      %swap3A_109 = arith.constant 0 : index
      %swap3A_110 = tpu.vector_load %arg8[%swap3A, %swap3A_109] {strides = array<i32>} : memref<160x128xi32, #tpu.memory_space<vmem>>, vector<1x16xi32>,
      %swap3A_111 = vector.shape_cast %swap3A_110 : vector<1x16xi32> to vector<16xi32>
      %swap3A_112 = vector.shape_cast %add3A_108 : vector<16xi32> to vector<1x16xi32>
      tpu.vector_store %arg8[%swap3A, %swap3A_109], %swap3A_112 {strides = array<i32>} : memref<160x128xi32, #tpu.memory_space<vmem>>, vector<1x16xi32>,
      %get3A_113 = arith.index_cast %scan3A_103 : i32 to index
      %get3A_114 = arith.constant 0 : index
      %get3A_115 = tpu.vector_load %arg9[%get3A_113, %get3A_114] {strides = array<i32>} : memref<160x128xi32, #tpu.memory_space<vmem>>, vector<1x16xi32>,
      %get3A_116 = vector.shape_cast %get3A_115 : vector<1x16xi32> to vector<16xi32>
      %add3A_117 = vector.broadcast %mul3A_12 : i32 to vector<16xi32>
      %add3A_118 = arith.addi %get3A_116, %add3A_117 : vector<16xi32>
      %swap3A_119 = arith.index_cast %scan3A_103 : i32 to index
      %swap3A_120 = arith.constant 0 : index
      %swap3A_121 = tpu.vector_load %arg9[%swap3A_119, %swap3A_120] {strides = array<i32>} : memref<160x128xi32, #tpu.memory_space<vmem>>, vector<1x16xi32>,
      %swap3A_122 = vector.shape_cast %swap3A_121 : vector<1x16xi32> to vector<16xi32>
      %swap3A_123 = vector.shape_cast %add3A_118 : vector<16xi32> to vector<1x16xi32>
      tpu.vector_store %arg9[%swap3A_119, %swap3A_120], %swap3A_123 {strides = array<i32>} : memref<160x128xi32, #tpu.memory_space<vmem>>, vector<1x16xi32>,
      %get3A_124 = arith.index_cast %scan3A_103 : i32 to index
      %get3A_125 = arith.constant 16 : index
      %get3A_126 = tpu.vector_load %arg8[%get3A_124, %get3A_125] {strides = array<i32>} : memref<160x128xi32, #tpu.memory_space<vmem>>, vector<1x16xi32>,
      %get3A_127 = vector.shape_cast %get3A_126 : vector<1x16xi32> to vector<16xi32>
      %add3A_128 = vector.broadcast %mul3A_12 : i32 to vector<16xi32>
      %add3A_129 = arith.addi %get3A_127, %add3A_128 : vector<16xi32>
      %swap3A_130 = arith.index_cast %scan3A_103 : i32 to index
      %swap3A_131 = arith.constant 16 : index
      %swap3A_132 = tpu.vector_load %arg8[%swap3A_130, %swap3A_131] {strides = array<i32>} : memref<160x128xi32, #tpu.memory_space<vmem>>, vector<1x16xi32>,
      %swap3A_133 = vector.shape_cast %swap3A_132 : vector<1x16xi32> to vector<16xi32>
      %swap3A_134 = vector.shape_cast %add3A_129 : vector<16xi32> to vector<1x16xi32>
      tpu.vector_store %arg8[%swap3A_130, %swap3A_131], %swap3A_134 {strides = array<i32>} : memref<160x128xi32, #tpu.memory_space<vmem>>, vector<1x16xi32>,
      %get3A_135 = arith.index_cast %scan3A_103 : i32 to index
      %get3A_136 = arith.constant 16 : index
      %get3A_137 = tpu.vector_load %arg9[%get3A_135, %get3A_136] {strides = array<i32>} : memref<160x128xi32, #tpu.memory_space<vmem>>, vector<1x16xi32>,
      %get3A_138 = vector.shape_cast %get3A_137 : vector<1x16xi32> to vector<16xi32>
      %add3A_139 = vector.broadcast %mul3A_12 : i32 to vector<16xi32>
      %add3A_140 = arith.addi %get3A_138, %add3A_139 : vector<16xi32>
      %swap3A_141 = arith.index_cast %scan3A_103 : i32 to index
      %swap3A_142 = arith.constant 16 : index
      %swap3A_143 = tpu.vector_load %arg9[%swap3A_141, %swap3A_142] {strides = array<i32>} : memref<160x128xi32, #tpu.memory_space<vmem>>, vector<1x16xi32>,
      %swap3A_144 = vector.shape_cast %swap3A_143 : vector<1x16xi32> to vector<16xi32>
      %swap3A_145 = vector.shape_cast %add3A_140 : vector<16xi32> to vector<1x16xi32>
      tpu.vector_store %arg9[%swap3A_141, %swap3A_142], %swap3A_145 {strides = array<i32>} : memref<160x128xi32, #tpu.memory_space<vmem>>, vector<1x16xi32>,
      %get3A_146 = arith.index_cast %scan3A_103 : i32 to index
      %get3A_147 = arith.constant 32 : index
      %get3A_148 = tpu.vector_load %arg8[%get3A_146, %get3A_147] {strides = array<i32>} : memref<160x128xi32, #tpu.memory_space<vmem>>, vector<1x16xi32>,
      %get3A_149 = vector.shape_cast %get3A_148 : vector<1x16xi32> to vector<16xi32>
      %add3A_150 = vector.broadcast %mul3A_12 : i32 to vector<16xi32>
      %add3A_151 = arith.addi %get3A_149, %add3A_150 : vector<16xi32>
      %swap3A_152 = arith.index_cast %scan3A_103 : i32 to index
      %swap3A_153 = arith.constant 32 : index
      %swap3A_154 = tpu.vector_load %arg8[%swap3A_152, %swap3A_153] {strides = array<i32>} : memref<160x128xi32, #tpu.memory_space<vmem>>, vector<1x16xi32>,
      %swap3A_155 = vector.shape_cast %swap3A_154 : vector<1x16xi32> to vector<16xi32>
      %swap3A_156 = vector.shape_cast %add3A_151 : vector<16xi32> to vector<1x16xi32>
      tpu.vector_store %arg8[%swap3A_152, %swap3A_153], %swap3A_156 {strides = array<i32>} : memref<160x128xi32, #tpu.memory_space<vmem>>, vector<1x16xi32>,
      %get3A_157 = arith.index_cast %scan3A_103 : i32 to index
      %get3A_158 = arith.constant 32 : index
      %get3A_159 = tpu.vector_load %arg9[%get3A_157, %get3A_158] {strides = array<i32>} : memref<160x128xi32, #tpu.memory_space<vmem>>, vector<1x16xi32>,
      %get3A_160 = vector.shape_cast %get3A_159 : vector<1x16xi32> to vector<16xi32>
      %add3A_161 = vector.broadcast %mul3A_12 : i32 to vector<16xi32>
      %add3A_162 = arith.addi %get3A_160, %add3A_161 : vector<16xi32>
      %swap3A_163 = arith.index_cast %scan3A_103 : i32 to index
      %swap3A_164 = arith.constant 32 : index
      %swap3A_165 = tpu.vector_load %arg9[%swap3A_163, %swap3A_164] {strides = array<i32>} : memref<160x128xi32, #tpu.memory_space<vmem>>, vector<1x16xi32>,
      %swap3A_166 = vector.shape_cast %swap3A_165 : vector<1x16xi32> to vector<16xi32>
      %swap3A_167 = vector.shape_cast %add3A_162 : vector<16xi32> to vector<1x16xi32>
      tpu.vector_store %arg9[%swap3A_163, %swap3A_164], %swap3A_167 {strides = array<i32>} : memref<160x128xi32, #tpu.memory_space<vmem>>, vector<1x16xi32>,
      %get3A_168 = arith.index_cast %scan3A_103 : i32 to index
      %get3A_169 = arith.constant 48 : index
      %get3A_170 = tpu.vector_load %arg8[%get3A_168, %get3A_169] {strides = array<i32>} : memref<160x128xi32, #tpu.memory_space<vmem>>, vector<1x16xi32>,
      %get3A_171 = vector.shape_cast %get3A_170 : vector<1x16xi32> to vector<16xi32>
      %add3A_172 = vector.broadcast %mul3A_12 : i32 to vector<16xi32>
      %add3A_173 = arith.addi %get3A_171, %add3A_172 : vector<16xi32>
      %swap3A_174 = arith.index_cast %scan3A_103 : i32 to index
      %swap3A_175 = arith.constant 48 : index
      %swap3A_176 = tpu.vector_load %arg8[%swap3A_174, %swap3A_175] {strides = array<i32>} : memref<160x128xi32, #tpu.memory_space<vmem>>, vector<1x16xi32>,
      %swap3A_177 = vector.shape_cast %swap3A_176 : vector<1x16xi32> to vector<16xi32>
      %swap3A_178 = vector.shape_cast %add3A_173 : vector<16xi32> to vector<1x16xi32>
      tpu.vector_store %arg8[%swap3A_174, %swap3A_175], %swap3A_178 {strides = array<i32>} : memref<160x128xi32, #tpu.memory_space<vmem>>, vector<1x16xi32>,
      %get3A_179 = arith.index_cast %scan3A_103 : i32 to index
      %get3A_180 = arith.constant 48 : index
      %get3A_181 = tpu.vector_load %arg9[%get3A_179, %get3A_180] {strides = array<i32>} : memref<160x128xi32, #tpu.memory_space<vmem>>, vector<1x16xi32>,
      %get3A_182 = vector.shape_cast %get3A_181 : vector<1x16xi32> to vector<16xi32>
      %add3A_183 = vector.broadcast %mul3A_12 : i32 to vector<16xi32>
      %add3A_184 = arith.addi %get3A_182, %add3A_183 : vector<16xi32>
      %swap3A_185 = arith.index_cast %scan3A_103 : i32 to index
      %swap3A_186 = arith.constant 48 : index
      %swap3A_187 = tpu.vector_load %arg9[%swap3A_185, %swap3A_186] {strides = array<i32>} : memref<160x128xi32, #tpu.memory_space<vmem>>, vector<1x16xi32>,
      %swap3A_188 = vector.shape_cast %swap3A_187 : vector<1x16xi32> to vector<16xi32>
      %swap3A_189 = vector.shape_cast %add3A_184 : vector<16xi32> to vector<1x16xi32>
      tpu.vector_store %arg9[%swap3A_185, %swap3A_186], %swap3A_189 {strides = array<i32>} : memref<160x128xi32, #tpu.memory_space<vmem>>, vector<1x16xi32>,
      %get3A_190 = arith.index_cast %scan3A_103 : i32 to index
      %get3A_191 = arith.constant 64 : index
      %get3A_192 = tpu.vector_load %arg8[%get3A_190, %get3A_191] {strides = array<i32>} : memref<160x128xi32, #tpu.memory_space<vmem>>, vector<1x16xi32>,
      %get3A_193 = vector.shape_cast %get3A_192 : vector<1x16xi32> to vector<16xi32>
      %add3A_194 = vector.broadcast %mul3A_12 : i32 to vector<16xi32>
      %add3A_195 = arith.addi %get3A_193, %add3A_194 : vector<16xi32>
      %swap3A_196 = arith.index_cast %scan3A_103 : i32 to index
      %swap3A_197 = arith.constant 64 : index
      %swap3A_198 = tpu.vector_load %arg8[%swap3A_196, %swap3A_197] {strides = array<i32>} : memref<160x128xi32, #tpu.memory_space<vmem>>, vector<1x16xi32>,
      %swap3A_199 = vector.shape_cast %swap3A_198 : vector<1x16xi32> to vector<16xi32>
      %swap3A_200 = vector.shape_cast %add3A_195 : vector<16xi32> to vector<1x16xi32>
      tpu.vector_store %arg8[%swap3A_196, %swap3A_197], %swap3A_200 {strides = array<i32>} : memref<160x128xi32, #tpu.memory_space<vmem>>, vector<1x16xi32>,
      %get3A_201 = arith.index_cast %scan3A_103 : i32 to index
      %get3A_202 = arith.constant 64 : index
      %get3A_203 = tpu.vector_load %arg9[%get3A_201, %get3A_202] {strides = array<i32>} : memref<160x128xi32, #tpu.memory_space<vmem>>, vector<1x16xi32>,
      %get3A_204 = vector.shape_cast %get3A_203 : vector<1x16xi32> to vector<16xi32>
      %add3A_205 = vector.broadcast %mul3A_12 : i32 to vector<16xi32>
      %add3A_206 = arith.addi %get3A_204, %add3A_205 : vector<16xi32>
      %swap3A_207 = arith.index_cast %scan3A_103 : i32 to index
      %swap3A_208 = arith.constant 64 : index
      %swap3A_209 = tpu.vector_load %arg9[%swap3A_207, %swap3A_208] {strides = array<i32>} : memref<160x128xi32, #tpu.memory_space<vmem>>, vector<1x16xi32>,
      %swap3A_210 = vector.shape_cast %swap3A_209 : vector<1x16xi32> to vector<16xi32>
      %swap3A_211 = vector.shape_cast %add3A_206 : vector<16xi32> to vector<1x16xi32>
      tpu.vector_store %arg9[%swap3A_207, %swap3A_208], %swap3A_211 {strides = array<i32>} : memref<160x128xi32, #tpu.memory_space<vmem>>, vector<1x16xi32>,
      %get3A_212 = arith.index_cast %scan3A_103 : i32 to index
      %get3A_213 = arith.constant 80 : index
      %get3A_214 = tpu.vector_load %arg8[%get3A_212, %get3A_213] {strides = array<i32>} : memref<160x128xi32, #tpu.memory_space<vmem>>, vector<1x16xi32>,
      %get3A_215 = vector.shape_cast %get3A_214 : vector<1x16xi32> to vector<16xi32>
      %add3A_216 = vector.broadcast %mul3A_12 : i32 to vector<16xi32>
      %add3A_217 = arith.addi %get3A_215, %add3A_216 : vector<16xi32>
      %swap3A_218 = arith.index_cast %scan3A_103 : i32 to index
      %swap3A_219 = arith.constant 80 : index
      %swap3A_220 = tpu.vector_load %arg8[%swap3A_218, %swap3A_219] {strides = array<i32>} : memref<160x128xi32, #tpu.memory_space<vmem>>, vector<1x16xi32>,
      %swap3A_221 = vector.shape_cast %swap3A_220 : vector<1x16xi32> to vector<16xi32>
      %swap3A_222 = vector.shape_cast %add3A_217 : vector<16xi32> to vector<1x16xi32>
      tpu.vector_store %arg8[%swap3A_218, %swap3A_219], %swap3A_222 {strides = array<i32>} : memref<160x128xi32, #tpu.memory_space<vmem>>, vector<1x16xi32>,
      %get3A_223 = arith.index_cast %scan3A_103 : i32 to index
      %get3A_224 = arith.constant 80 : index
      %get3A_225 = tpu.vector_load %arg9[%get3A_223, %get3A_224] {strides = array<i32>} : memref<160x128xi32, #tpu.memory_space<vmem>>, vector<1x16xi32>,
      %get3A_226 = vector.shape_cast %get3A_225 : vector<1x16xi32> to vector<16xi32>
      %add3A_227 = vector.broadcast %mul3A_12 : i32 to vector<16xi32>
      %add3A_228 = arith.addi %get3A_226, %add3A_227 : vector<16xi32>
      %swap3A_229 = arith.index_cast %scan3A_103 : i32 to index
      %swap3A_230 = arith.constant 80 : index
      %swap3A_231 = tpu.vector_load %arg9[%swap3A_229, %swap3A_230] {strides = array<i32>} : memref<160x128xi32, #tpu.memory_space<vmem>>, vector<1x16xi32>,
      %swap3A_232 = vector.shape_cast %swap3A_231 : vector<1x16xi32> to vector<16xi32>
      %swap3A_233 = vector.shape_cast %add3A_228 : vector<16xi32> to vector<1x16xi32>
      tpu.vector_store %arg9[%swap3A_229, %swap3A_230], %swap3A_233 {strides = array<i32>} : memref<160x128xi32, #tpu.memory_space<vmem>>, vector<1x16xi32>,
      %get3A_234 = arith.index_cast %scan3A_103 : i32 to index
      %get3A_235 = arith.constant 96 : index
      %get3A_236 = tpu.vector_load %arg8[%get3A_234, %get3A_235] {strides = array<i32>} : memref<160x128xi32, #tpu.memory_space<vmem>>, vector<1x16xi32>,
      %get3A_237 = vector.shape_cast %get3A_236 : vector<1x16xi32> to vector<16xi32>
      %add3A_238 = vector.broadcast %mul3A_12 : i32 to vector<16xi32>
      %add3A_239 = arith.addi %get3A_237, %add3A_238 : vector<16xi32>
      %swap3A_240 = arith.index_cast %scan3A_103 : i32 to index
      %swap3A_241 = arith.constant 96 : index
      %swap3A_242 = tpu.vector_load %arg8[%swap3A_240, %swap3A_241] {strides = array<i32>} : memref<160x128xi32, #tpu.memory_space<vmem>>, vector<1x16xi32>,
      %swap3A_243 = vector.shape_cast %swap3A_242 : vector<1x16xi32> to vector<16xi32>
      %swap3A_244 = vector.shape_cast %add3A_239 : vector<16xi32> to vector<1x16xi32>
      tpu.vector_store %arg8[%swap3A_240, %swap3A_241], %swap3A_244 {strides = array<i32>} : memref<160x128xi32, #tpu.memory_space<vmem>>, vector<1x16xi32>,
      %get3A_245 = arith.index_cast %scan3A_103 : i32 to index
      %get3A_246 = arith.constant 96 : index
      %get3A_247 = tpu.vector_load %arg9[%get3A_245, %get3A_246] {strides = array<i32>} : memref<160x128xi32, #tpu.memory_space<vmem>>, vector<1x16xi32>,
      %get3A_248 = vector.shape_cast %get3A_247 : vector<1x16xi32> to vector<16xi32>
      %add3A_249 = vector.broadcast %mul3A_12 : i32 to vector<16xi32>
      %add3A_250 = arith.addi %get3A_248, %add3A_249 : vector<16xi32>
      %swap3A_251 = arith.index_cast %scan3A_103 : i32 to index
      %swap3A_252 = arith.constant 96 : index
      %swap3A_253 = tpu.vector_load %arg9[%swap3A_251, %swap3A_252] {strides = array<i32>} : memref<160x128xi32, #tpu.memory_space<vmem>>, vector<1x16xi32>,
      %swap3A_254 = vector.shape_cast %swap3A_253 : vector<1x16xi32> to vector<16xi32>
      %swap3A_255 = vector.shape_cast %add3A_250 : vector<16xi32> to vector<1x16xi32>
      tpu.vector_store %arg9[%swap3A_251, %swap3A_252], %swap3A_255 {strides = array<i32>} : memref<160x128xi32, #tpu.memory_space<vmem>>, vector<1x16xi32>,
      %get3A_256 = arith.index_cast %scan3A_103 : i32 to index
      %get3A_257 = arith.constant 112 : index
      %get3A_258 = tpu.vector_load %arg8[%get3A_256, %get3A_257] {strides = array<i32>} : memref<160x128xi32, #tpu.memory_space<vmem>>, vector<1x16xi32>,
      %get3A_259 = vector.shape_cast %get3A_258 : vector<1x16xi32> to vector<16xi32>
      %add3A_260 = vector.broadcast %mul3A_12 : i32 to vector<16xi32>
      %add3A_261 = arith.addi %get3A_259, %add3A_260 : vector<16xi32>
      %swap3A_262 = arith.index_cast %scan3A_103 : i32 to index
      %swap3A_263 = arith.constant 112 : index
      %swap3A_264 = tpu.vector_load %arg8[%swap3A_262, %swap3A_263] {strides = array<i32>} : memref<160x128xi32, #tpu.memory_space<vmem>>, vector<1x16xi32>,
      %swap3A_265 = vector.shape_cast %swap3A_264 : vector<1x16xi32> to vector<16xi32>
      %swap3A_266 = vector.shape_cast %add3A_261 : vector<16xi32> to vector<1x16xi32>
      tpu.vector_store %arg8[%swap3A_262, %swap3A_263], %swap3A_266 {strides = array<i32>} : memref<160x128xi32, #tpu.memory_space<vmem>>, vector<1x16xi32>,
      %get3A_267 = arith.index_cast %scan3A_103 : i32 to index
      %get3A_268 = arith.constant 112 : index
      %get3A_269 = tpu.vector_load %arg9[%get3A_267, %get3A_268] {strides = array<i32>} : memref<160x128xi32, #tpu.memory_space<vmem>>, vector<1x16xi32>,
      %get3A_270 = vector.shape_cast %get3A_269 : vector<1x16xi32> to vector<16xi32>
      %add3A_271 = vector.broadcast %mul3A_12 : i32 to vector<16xi32>
      %add3A_272 = arith.addi %get3A_270, %add3A_271 : vector<16xi32>
      %swap3A_273 = arith.index_cast %scan3A_103 : i32 to index
      %swap3A_274 = arith.constant 112 : index
      %swap3A_275 = tpu.vector_load %arg9[%swap3A_273, %swap3A_274] {strides = array<i32>} : memref<160x128xi32, #tpu.memory_space<vmem>>, vector<1x16xi32>,
      %swap3A_276 = vector.shape_cast %swap3A_275 : vector<1x16xi32> to vector<16xi32>
      %swap3A_277 = vector.shape_cast %add3A_272 : vector<16xi32> to vector<1x16xi32>
      tpu.vector_store %arg9[%swap3A_273, %swap3A_274], %swap3A_277 {strides = array<i32>} : memref<160x128xi32, #tpu.memory_space<vmem>>, vector<1x16xi32>,
    }
    %scan3A_17 = arith.constant 160 : i32
    %scan3A_18 = arith.constant 0 : i32
    %scan3A_19 = arith.constant 0 : i32
    %scan3A_20 = arith.constant 128 : i32
    %scan3A_21 = arith.addi %scan3A_19, %scan3A_20 : i32
    %scan3A_22 = arith.constant 1 : i32
    scf.for %scan3A_103 = %scan3A_19 to %scan3A_21 step %scan3A_22  : i32 {
      %swap3A = arith.index_cast %scan3A_103 : i32 to index
      %swap3A_104 = arith.constant 0 : index
      %swap3A_105 = tpu.vector_load %arg13[%swap3A, %swap3A_104] {strides = array<i32>} : memref<128x64xf32, #tpu.memory_space<vmem>>, vector<1x16xf32>,
      %swap3A_106 = vector.shape_cast %swap3A_105 : vector<1x16xf32> to vector<16xf32>
      %swap3A_107 = vector.shape_cast %broadcast_in_dim3A_1 : vector<16xf32> to vector<1x16xf32>
      tpu.vector_store %arg13[%swap3A, %swap3A_104], %swap3A_107 {strides = array<i32>} : memref<128x64xf32, #tpu.memory_space<vmem>>, vector<1x16xf32>,
      %swap3A_108 = arith.index_cast %scan3A_103 : i32 to index
      %swap3A_109 = arith.constant 16 : index
      %swap3A_110 = tpu.vector_load %arg13[%swap3A_108, %swap3A_109] {strides = array<i32>} : memref<128x64xf32, #tpu.memory_space<vmem>>, vector<1x16xf32>,
      %swap3A_111 = vector.shape_cast %swap3A_110 : vector<1x16xf32> to vector<16xf32>
      %swap3A_112 = vector.shape_cast %broadcast_in_dim3A_1 : vector<16xf32> to vector<1x16xf32>
      tpu.vector_store %arg13[%swap3A_108, %swap3A_109], %swap3A_112 {strides = array<i32>} : memref<128x64xf32, #tpu.memory_space<vmem>>, vector<1x16xf32>,
      %swap3A_113 = arith.index_cast %scan3A_103 : i32 to index
      %swap3A_114 = arith.constant 32 : index
      %swap3A_115 = tpu.vector_load %arg13[%swap3A_113, %swap3A_114] {strides = array<i32>} : memref<128x64xf32, #tpu.memory_space<vmem>>, vector<1x16xf32>,
      %swap3A_116 = vector.shape_cast %swap3A_115 : vector<1x16xf32> to vector<16xf32>
      %swap3A_117 = vector.shape_cast %broadcast_in_dim3A_1 : vector<16xf32> to vector<1x16xf32>
      tpu.vector_store %arg13[%swap3A_113, %swap3A_114], %swap3A_117 {strides = array<i32>} : memref<128x64xf32, #tpu.memory_space<vmem>>, vector<1x16xf32>,
      %swap3A_118 = arith.index_cast %scan3A_103 : i32 to index
      %swap3A_119 = arith.constant 48 : index
      %swap3A_120 = tpu.vector_load %arg13[%swap3A_118, %swap3A_119] {strides = array<i32>} : memref<128x64xf32, #tpu.memory_space<vmem>>, vector<1x16xf32>,
      %swap3A_121 = vector.shape_cast %swap3A_120 : vector<1x16xf32> to vector<16xf32>
      %swap3A_122 = vector.shape_cast %broadcast_in_dim3A_1 : vector<16xf32> to vector<1x16xf32>
      tpu.vector_store %arg13[%swap3A_118, %swap3A_119], %swap3A_122 {strides = array<i32>} : memref<128x64xf32, #tpu.memory_space<vmem>>, vector<1x16xf32>,
      %swap3A_123 = arith.index_cast %scan3A_103 : i32 to index
      %swap3A_124 = arith.constant 0 : index
      %swap3A_125 = tpu.vector_load %arg14[%swap3A_123, %swap3A_124] {strides = array<i32>} : memref<128x16xf32, #tpu.memory_space<vmem>>, vector<1x16xf32>,
      %swap3A_126 = vector.shape_cast %swap3A_125 : vector<1x16xf32> to vector<16xf32>
      %swap3A_127 = vector.shape_cast %broadcast_in_dim3A_1 : vector<16xf32> to vector<1x16xf32>
      tpu.vector_store %arg14[%swap3A_123, %swap3A_124], %swap3A_127 {strides = array<i32>} : memref<128x16xf32, #tpu.memory_space<vmem>>, vector<1x16xf32>,
    }
    %scan3A_23 = arith.constant 128 : i32
    %add3A = arith.constant 0 : i32
    %add3A_24 = arith.addi %mul3A_0, %add3A : i32
    "tpu.region"() ({
      %run_scoped3A_103 = tpu.sem_alloc : memref<!tpu.dma_semaphore, #tpu.memory_space<semaphore_mem>>
      %dma_start3A = arith.constant 0 : i32
      %dma_start3A_104 = tpu.memref_slice %arg15[%add3A_24, %dma_start3A] : memref<5120x64xf32, #tpu.memory_space<vmem_shared>> -> memref<128x64xf32, #tpu.memory_space<vmem_shared>>
      %dma_start3A_105 = arith.constant 0 : i32
      %dma_start3A_106 = tpu.memref_slice %arg15[%add3A_24, %dma_start3A_105] : memref<5120x64xf32, #tpu.memory_space<vmem_shared>> -> memref<128x64xf32, #tpu.memory_space<vmem_shared>>
      tpu.enqueue_dma source(%arg13 : memref<128x64xf32, #tpu.memory_space<vmem>>) target(%dma_start3A_106 : memref<128x64xf32, #tpu.memory_space<vmem_shared>>) target_semaphore(%run_scoped3A_103 : memref<!tpu.dma_semaphore, #tpu.memory_space<semaphore_mem>>)
      %dma_wait3A = arith.constant 0 : i32
      %dma_wait3A_107 = tpu.memref_slice %arg15[%add3A_24, %dma_wait3A] : memref<5120x64xf32, #tpu.memory_space<vmem_shared>> -> memref<128x64xf32, #tpu.memory_space<vmem_shared>>
      %dma_wait3A_108 = arith.constant 0 : i32
      %dma_wait3A_109 = tpu.memref_slice %arg15[%add3A_24, %dma_wait3A_108] : memref<5120x64xf32, #tpu.memory_space<vmem_shared>> -> memref<128x64xf32, #tpu.memory_space<vmem_shared>>
      tpu.wait_dma2 semaphore(%run_scoped3A_103 : memref<!tpu.dma_semaphore, #tpu.memory_space<semaphore_mem>>) src(%arg13 : memref<128x64xf32, #tpu.memory_space<vmem>>) dst(%dma_wait3A_109 : memref<128x64xf32, #tpu.memory_space<vmem_shared>>)
      tpu.yield
    }) : () -> ()
    %add3A_25 = arith.constant 0 : i32
    %add3A_26 = arith.addi %mul3A_0, %add3A_25 : i32
    "tpu.region"() ({
      %run_scoped3A_103 = tpu.sem_alloc : memref<!tpu.dma_semaphore, #tpu.memory_space<semaphore_mem>>
      %dma_start3A = arith.constant 0 : i32
      %dma_start3A_104 = tpu.memref_slice %arg16[%add3A_26, %dma_start3A] : memref<5120x16xf32, #tpu.memory_space<vmem_shared>> -> memref<128x16xf32, #tpu.memory_space<vmem_shared>>
      %dma_start3A_105 = arith.constant 0 : i32
      %dma_start3A_106 = tpu.memref_slice %arg16[%add3A_26, %dma_start3A_105] : memref<5120x16xf32, #tpu.memory_space<vmem_shared>> -> memref<128x16xf32, #tpu.memory_space<vmem_shared>>
      tpu.enqueue_dma source(%arg14 : memref<128x16xf32, #tpu.memory_space<vmem>>) target(%dma_start3A_106 : memref<128x16xf32, #tpu.memory_space<vmem_shared>>) target_semaphore(%run_scoped3A_103 : memref<!tpu.dma_semaphore, #tpu.memory_space<semaphore_mem>>)
      %dma_wait3A = arith.constant 0 : i32
      %dma_wait3A_107 = tpu.memref_slice %arg16[%add3A_26, %dma_wait3A] : memref<5120x16xf32, #tpu.memory_space<vmem_shared>> -> memref<128x16xf32, #tpu.memory_space<vmem_shared>>
      %dma_wait3A_108 = arith.constant 0 : i32
      %dma_wait3A_109 = tpu.memref_slice %arg16[%add3A_26, %dma_wait3A_108] : memref<5120x16xf32, #tpu.memory_space<vmem_shared>> -> memref<128x16xf32, #tpu.memory_space<vmem_shared>>
      tpu.wait_dma2 semaphore(%run_scoped3A_103 : memref<!tpu.dma_semaphore, #tpu.memory_space<semaphore_mem>>) src(%arg14 : memref<128x16xf32, #tpu.memory_space<vmem>>) dst(%dma_wait3A_109 : memref<128x16xf32, #tpu.memory_space<vmem_shared>>)
      tpu.yield
    }) : () -> ()
    %add3A_27 = arith.constant 128 : i32
    %add3A_28 = arith.addi %mul3A_0, %add3A_27 : i32
    "tpu.region"() ({
      %run_scoped3A_103 = tpu.sem_alloc : memref<!tpu.dma_semaphore, #tpu.memory_space<semaphore_mem>>
      %dma_start3A = arith.constant 0 : i32
      %dma_start3A_104 = tpu.memref_slice %arg15[%add3A_28, %dma_start3A] : memref<5120x64xf32, #tpu.memory_space<vmem_shared>> -> memref<128x64xf32, #tpu.memory_space<vmem_shared>>
      %dma_start3A_105 = arith.constant 0 : i32
      %dma_start3A_106 = tpu.memref_slice %arg15[%add3A_28, %dma_start3A_105] : memref<5120x64xf32, #tpu.memory_space<vmem_shared>> -> memref<128x64xf32, #tpu.memory_space<vmem_shared>>
      tpu.enqueue_dma source(%arg13 : memref<128x64xf32, #tpu.memory_space<vmem>>) target(%dma_start3A_106 : memref<128x64xf32, #tpu.memory_space<vmem_shared>>) target_semaphore(%run_scoped3A_103 : memref<!tpu.dma_semaphore, #tpu.memory_space<semaphore_mem>>)
      %dma_wait3A = arith.constant 0 : i32
      %dma_wait3A_107 = tpu.memref_slice %arg15[%add3A_28, %dma_wait3A] : memref<5120x64xf32, #tpu.memory_space<vmem_shared>> -> memref<128x64xf32, #tpu.memory_space<vmem_shared>>
      %dma_wait3A_108 = arith.constant 0 : i32
      %dma_wait3A_109 = tpu.memref_slice %arg15[%add3A_28, %dma_wait3A_108] : memref<5120x64xf32, #tpu.memory_space<vmem_shared>> -> memref<128x64xf32, #tpu.memory_space<vmem_shared>>
      tpu.wait_dma2 semaphore(%run_scoped3A_103 : memref<!tpu.dma_semaphore, #tpu.memory_space<semaphore_mem>>) src(%arg13 : memref<128x64xf32, #tpu.memory_space<vmem>>) dst(%dma_wait3A_109 : memref<128x64xf32, #tpu.memory_space<vmem_shared>>)
      tpu.yield
    }) : () -> ()
    %add3A_29 = arith.constant 128 : i32
    %add3A_30 = arith.addi %mul3A_0, %add3A_29 : i32
    "tpu.region"() ({
      %run_scoped3A_103 = tpu.sem_alloc : memref<!tpu.dma_semaphore, #tpu.memory_space<semaphore_mem>>
      %dma_start3A = arith.constant 0 : i32
      %dma_start3A_104 = tpu.memref_slice %arg16[%add3A_30, %dma_start3A] : memref<5120x16xf32, #tpu.memory_space<vmem_shared>> -> memref<128x16xf32, #tpu.memory_space<vmem_shared>>
      %dma_start3A_105 = arith.constant 0 : i32
      %dma_start3A_106 = tpu.memref_slice %arg16[%add3A_30, %dma_start3A_105] : memref<5120x16xf32, #tpu.memory_space<vmem_shared>> -> memref<128x16xf32, #tpu.memory_space<vmem_shared>>
      tpu.enqueue_dma source(%arg14 : memref<128x16xf32, #tpu.memory_space<vmem>>) target(%dma_start3A_106 : memref<128x16xf32, #tpu.memory_space<vmem_shared>>) target_semaphore(%run_scoped3A_103 : memref<!tpu.dma_semaphore, #tpu.memory_space<semaphore_mem>>)
      %dma_wait3A = arith.constant 0 : i32
      %dma_wait3A_107 = tpu.memref_slice %arg16[%add3A_30, %dma_wait3A] : memref<5120x16xf32, #tpu.memory_space<vmem_shared>> -> memref<128x16xf32, #tpu.memory_space<vmem_shared>>
      %dma_wait3A_108 = arith.constant 0 : i32
      %dma_wait3A_109 = tpu.memref_slice %arg16[%add3A_30, %dma_wait3A_108] : memref<5120x16xf32, #tpu.memory_space<vmem_shared>> -> memref<128x16xf32, #tpu.memory_space<vmem_shared>>
      tpu.wait_dma2 semaphore(%run_scoped3A_103 : memref<!tpu.dma_semaphore, #tpu.memory_space<semaphore_mem>>) src(%arg14 : memref<128x16xf32, #tpu.memory_space<vmem>>) dst(%dma_wait3A_109 : memref<128x16xf32, #tpu.memory_space<vmem_shared>>)
      tpu.yield
    }) : () -> ()
    %add3A_31 = arith.constant 256 : i32
    %add3A_32 = arith.addi %mul3A_0, %add3A_31 : i32
    "tpu.region"() ({
      %run_scoped3A_103 = tpu.sem_alloc : memref<!tpu.dma_semaphore, #tpu.memory_space<semaphore_mem>>
      %dma_start3A = arith.constant 0 : i32
      %dma_start3A_104 = arith.constant 0 : i32
      %dma_start3A_105 = tpu.memref_slice %arg13[%dma_start3A, %dma_start3A_104] : memref<128x64xf32, #tpu.memory_space<vmem>> -> memref<64x64xf32, #tpu.memory_space<vmem>>
      %dma_start3A_106 = arith.constant 0 : i32
      %dma_start3A_107 = tpu.memref_slice %arg15[%add3A_32, %dma_start3A_106] : memref<5120x64xf32, #tpu.memory_space<vmem_shared>> -> memref<64x64xf32, #tpu.memory_space<vmem_shared>>
      %dma_start3A_108 = arith.constant 0 : i32
      %dma_start3A_109 = tpu.memref_slice %arg15[%add3A_32, %dma_start3A_108] : memref<5120x64xf32, #tpu.memory_space<vmem_shared>> -> memref<64x64xf32, #tpu.memory_space<vmem_shared>>
      %dma_start3A_110 = arith.constant 0 : i32
      %dma_start3A_111 = arith.constant 0 : i32
      %dma_start3A_112 = tpu.memref_slice %arg13[%dma_start3A_110, %dma_start3A_111] : memref<128x64xf32, #tpu.memory_space<vmem>> -> memref<64x64xf32, #tpu.memory_space<vmem>>
      tpu.enqueue_dma source(%dma_start3A_112 : memref<64x64xf32, #tpu.memory_space<vmem>>) target(%dma_start3A_109 : memref<64x64xf32, #tpu.memory_space<vmem_shared>>) target_semaphore(%run_scoped3A_103 : memref<!tpu.dma_semaphore, #tpu.memory_space<semaphore_mem>>)
      %dma_wait3A = arith.constant 0 : i32
      %dma_wait3A_113 = arith.constant 0 : i32
      %dma_wait3A_114 = tpu.memref_slice %arg13[%dma_wait3A, %dma_wait3A_113] : memref<128x64xf32, #tpu.memory_space<vmem>> -> memref<64x64xf32, #tpu.memory_space<vmem>>
      %dma_wait3A_115 = arith.constant 0 : i32
      %dma_wait3A_116 = tpu.memref_slice %arg15[%add3A_32, %dma_wait3A_115] : memref<5120x64xf32, #tpu.memory_space<vmem_shared>> -> memref<64x64xf32, #tpu.memory_space<vmem_shared>>
      %dma_wait3A_117 = arith.constant 0 : i32
      %dma_wait3A_118 = tpu.memref_slice %arg15[%add3A_32, %dma_wait3A_117] : memref<5120x64xf32, #tpu.memory_space<vmem_shared>> -> memref<64x64xf32, #tpu.memory_space<vmem_shared>>
      %dma_wait3A_119 = arith.constant 0 : i32
      %dma_wait3A_120 = arith.constant 0 : i32
      %dma_wait3A_121 = tpu.memref_slice %arg13[%dma_wait3A_119, %dma_wait3A_120] : memref<128x64xf32, #tpu.memory_space<vmem>> -> memref<64x64xf32, #tpu.memory_space<vmem>>
      tpu.wait_dma2 semaphore(%run_scoped3A_103 : memref<!tpu.dma_semaphore, #tpu.memory_space<semaphore_mem>>) src(%dma_wait3A_121 : memref<64x64xf32, #tpu.memory_space<vmem>>) dst(%dma_wait3A_118 : memref<64x64xf32, #tpu.memory_space<vmem_shared>>)
      tpu.yield
    }) : () -> ()
    "tpu.region"() ({
      %run_scoped3A_103 = tpu.sem_alloc : memref<!tpu.dma_semaphore, #tpu.memory_space<semaphore_mem>>
      %dma_start3A = arith.constant 0 : i32
      %dma_start3A_104 = arith.constant 0 : i32
      %dma_start3A_105 = tpu.memref_slice %arg14[%dma_start3A, %dma_start3A_104] : memref<128x16xf32, #tpu.memory_space<vmem>> -> memref<64x16xf32, #tpu.memory_space<vmem>>
      %dma_start3A_106 = arith.constant 0 : i32
      %dma_start3A_107 = tpu.memref_slice %arg16[%add3A_32, %dma_start3A_106] : memref<5120x16xf32, #tpu.memory_space<vmem_shared>> -> memref<64x16xf32, #tpu.memory_space<vmem_shared>>
      %dma_start3A_108 = arith.constant 0 : i32
      %dma_start3A_109 = tpu.memref_slice %arg16[%add3A_32, %dma_start3A_108] : memref<5120x16xf32, #tpu.memory_space<vmem_shared>> -> memref<64x16xf32, #tpu.memory_space<vmem_shared>>
      %dma_start3A_110 = arith.constant 0 : i32
      %dma_start3A_111 = arith.constant 0 : i32
      %dma_start3A_112 = tpu.memref_slice %arg14[%dma_start3A_110, %dma_start3A_111] : memref<128x16xf32, #tpu.memory_space<vmem>> -> memref<64x16xf32, #tpu.memory_space<vmem>>
      tpu.enqueue_dma source(%dma_start3A_112 : memref<64x16xf32, #tpu.memory_space<vmem>>) target(%dma_start3A_109 : memref<64x16xf32, #tpu.memory_space<vmem_shared>>) target_semaphore(%run_scoped3A_103 : memref<!tpu.dma_semaphore, #tpu.memory_space<semaphore_mem>>)
      %dma_wait3A = arith.constant 0 : i32
      %dma_wait3A_113 = arith.constant 0 : i32
      %dma_wait3A_114 = tpu.memref_slice %arg14[%dma_wait3A, %dma_wait3A_113] : memref<128x16xf32, #tpu.memory_space<vmem>> -> memref<64x16xf32, #tpu.memory_space<vmem>>
      %dma_wait3A_115 = arith.constant 0 : i32
      %dma_wait3A_116 = tpu.memref_slice %arg16[%add3A_32, %dma_wait3A_115] : memref<5120x16xf32, #tpu.memory_space<vmem_shared>> -> memref<64x16xf32, #tpu.memory_space<vmem_shared>>
      %dma_wait3A_117 = arith.constant 0 : i32
      %dma_wait3A_118 = tpu.memref_slice %arg16[%add3A_32, %dma_wait3A_117] : memref<5120x16xf32, #tpu.memory_space<vmem_shared>> -> memref<64x16xf32, #tpu.memory_space<vmem_shared>>
      %dma_wait3A_119 = arith.constant 0 : i32
      %dma_wait3A_120 = arith.constant 0 : i32
      %dma_wait3A_121 = tpu.memref_slice %arg14[%dma_wait3A_119, %dma_wait3A_120] : memref<128x16xf32, #tpu.memory_space<vmem>> -> memref<64x16xf32, #tpu.memory_space<vmem>>
      tpu.wait_dma2 semaphore(%run_scoped3A_103 : memref<!tpu.dma_semaphore, #tpu.memory_space<semaphore_mem>>) src(%dma_wait3A_121 : memref<64x16xf32, #tpu.memory_space<vmem>>) dst(%dma_wait3A_118 : memref<64x16xf32, #tpu.memory_space<vmem_shared>>)
      tpu.yield
    }) : () -> ()
    %scan3A_33 = arith.constant 0 : i32
    %scan3A_34 = arith.constant 0 : i32
    %scan3A_35 = arith.constant 128 : i32
    %scan3A_36 = arith.addi %scan3A_34, %scan3A_35 : i32
    %scan3A_37 = arith.constant 1 : i32
    scf.for %scan3A_103 = %scan3A_34 to %scan3A_36 step %scan3A_37  : i32 {
      %swap3A = arith.index_cast %scan3A_103 : i32 to index
      %swap3A_104 = arith.constant 0 : index
      %swap3A_105 = tpu.vector_load %arg14[%swap3A, %swap3A_104] {strides = array<i32>} : memref<128x16xf32, #tpu.memory_space<vmem>>, vector<1x16xf32>,
      %swap3A_106 = vector.shape_cast %swap3A_105 : vector<1x16xf32> to vector<16xf32>
      %swap3A_107 = vector.shape_cast %select_n3A : vector<16xf32> to vector<1x16xf32>
      tpu.vector_store %arg14[%swap3A, %swap3A_104], %swap3A_107 {strides = array<i32>} : memref<128x16xf32, #tpu.memory_space<vmem>>, vector<1x16xf32>,
    }
    %scan3A_38 = arith.constant 128 : i32
    %add3A_39 = arith.constant 0 : i32
    %add3A_40 = arith.addi %mul3A_12, %add3A_39 : i32
    %scan3A_41 = arith.constant 0 : i32
    %scan3A_42 = arith.constant 0 : i32
    %scan3A_43 = arith.constant 160 : i32
    %scan3A_44 = arith.addi %scan3A_42, %scan3A_43 : i32
    %scan3A_45 = arith.constant 1 : i32
    scf.for %scan3A_103 = %scan3A_42 to %scan3A_44 step %scan3A_45  : i32 {
      %get3A = arith.index_cast %scan3A_103 : i32 to index
      %get3A_104 = arith.constant 0 : index
      %get3A_105 = tpu.vector_load %arg9[%get3A, %get3A_104] {strides = array<i32>} : memref<160x128xi32, #tpu.memory_space<vmem>>, vector<1x16xi32>,
      %get3A_106 = vector.shape_cast %get3A_105 : vector<1x16xi32> to vector<16xi32>
      %sub3A = vector.broadcast %add3A_40 : i32 to vector<16xi32>
      %sub3A_107 = arith.subi %get3A_106, %sub3A : vector<16xi32>
      %ge3A = arith.constant 0 : i32
      %ge3A_108 = vector.broadcast %ge3A : i32 to vector<16xi32>
      %ge3A_109 = arith.cmpi sge, %sub3A_107, %ge3A_108 : vector<16xi32>
      %lt3A = arith.constant 5000 : i32
      %lt3A_110 = vector.broadcast %lt3A : i32 to vector<16xi32>
      %lt3A_111 = arith.cmpi slt, %sub3A_107, %lt3A_110 : vector<16xi32>
      %and3A = arith.andi %ge3A_109, %lt3A_111 : vector<16xi1>
      %jit3A_112 = arith.constant 5000 : i32
      %broadcast_in_dim3A_113 = vector.broadcast %jit3A_112 : i32 to vector<16xi32>
      %select_n3A_114 = arith.select %and3A, %sub3A_107, %broadcast_in_dim3A_113 : vector<16xi1>, vector<16xi32>
      %swap3A = arith.index_cast %scan3A_103 : i32 to index
      %swap3A_115 = arith.constant 0 : index
      %swap3A_116 = tpu.vector_load %arg10[%swap3A, %swap3A_115] {strides = array<i32>} : memref<160x128xi32, #tpu.memory_space<vmem>>, vector<1x16xi32>,
      %swap3A_117 = vector.shape_cast %swap3A_116 : vector<1x16xi32> to vector<16xi32>
      %swap3A_118 = vector.shape_cast %select_n3A_114 : vector<16xi32> to vector<1x16xi32>
      tpu.vector_store %arg10[%swap3A, %swap3A_115], %swap3A_118 {strides = array<i32>} : memref<160x128xi32, #tpu.memory_space<vmem>>, vector<1x16xi32>,
      %get3A_119 = arith.index_cast %scan3A_103 : i32 to index
      %get3A_120 = arith.constant 16 : index
      %get3A_121 = tpu.vector_load %arg9[%get3A_119, %get3A_120] {strides = array<i32>} : memref<160x128xi32, #tpu.memory_space<vmem>>, vector<1x16xi32>,
      %get3A_122 = vector.shape_cast %get3A_121 : vector<1x16xi32> to vector<16xi32>
      %sub3A_123 = vector.broadcast %add3A_40 : i32 to vector<16xi32>
      %sub3A_124 = arith.subi %get3A_122, %sub3A_123 : vector<16xi32>
      %ge3A_125 = arith.constant 0 : i32
      %ge3A_126 = vector.broadcast %ge3A_125 : i32 to vector<16xi32>
      %ge3A_127 = arith.cmpi sge, %sub3A_124, %ge3A_126 : vector<16xi32>
      %lt3A_128 = arith.constant 5000 : i32
      %lt3A_129 = vector.broadcast %lt3A_128 : i32 to vector<16xi32>
      %lt3A_130 = arith.cmpi slt, %sub3A_124, %lt3A_129 : vector<16xi32>
      %and3A_131 = arith.andi %ge3A_127, %lt3A_130 : vector<16xi1>
      %jit3A_132 = arith.constant 5000 : i32
      %broadcast_in_dim3A_133 = vector.broadcast %jit3A_132 : i32 to vector<16xi32>
      %select_n3A_134 = arith.select %and3A_131, %sub3A_124, %broadcast_in_dim3A_133 : vector<16xi1>, vector<16xi32>
      %swap3A_135 = arith.index_cast %scan3A_103 : i32 to index
      %swap3A_136 = arith.constant 16 : index
      %swap3A_137 = tpu.vector_load %arg10[%swap3A_135, %swap3A_136] {strides = array<i32>} : memref<160x128xi32, #tpu.memory_space<vmem>>, vector<1x16xi32>,
      %swap3A_138 = vector.shape_cast %swap3A_137 : vector<1x16xi32> to vector<16xi32>
      %swap3A_139 = vector.shape_cast %select_n3A_134 : vector<16xi32> to vector<1x16xi32>
      tpu.vector_store %arg10[%swap3A_135, %swap3A_136], %swap3A_139 {strides = array<i32>} : memref<160x128xi32, #tpu.memory_space<vmem>>, vector<1x16xi32>,
      %get3A_140 = arith.index_cast %scan3A_103 : i32 to index
      %get3A_141 = arith.constant 32 : index
      %get3A_142 = tpu.vector_load %arg9[%get3A_140, %get3A_141] {strides = array<i32>} : memref<160x128xi32, #tpu.memory_space<vmem>>, vector<1x16xi32>,
      %get3A_143 = vector.shape_cast %get3A_142 : vector<1x16xi32> to vector<16xi32>
      %sub3A_144 = vector.broadcast %add3A_40 : i32 to vector<16xi32>
      %sub3A_145 = arith.subi %get3A_143, %sub3A_144 : vector<16xi32>
      %ge3A_146 = arith.constant 0 : i32
      %ge3A_147 = vector.broadcast %ge3A_146 : i32 to vector<16xi32>
      %ge3A_148 = arith.cmpi sge, %sub3A_145, %ge3A_147 : vector<16xi32>
      %lt3A_149 = arith.constant 5000 : i32
      %lt3A_150 = vector.broadcast %lt3A_149 : i32 to vector<16xi32>
      %lt3A_151 = arith.cmpi slt, %sub3A_145, %lt3A_150 : vector<16xi32>
      %and3A_152 = arith.andi %ge3A_148, %lt3A_151 : vector<16xi1>
      %jit3A_153 = arith.constant 5000 : i32
      %broadcast_in_dim3A_154 = vector.broadcast %jit3A_153 : i32 to vector<16xi32>
      %select_n3A_155 = arith.select %and3A_152, %sub3A_145, %broadcast_in_dim3A_154 : vector<16xi1>, vector<16xi32>
      %swap3A_156 = arith.index_cast %scan3A_103 : i32 to index
      %swap3A_157 = arith.constant 32 : index
      %swap3A_158 = tpu.vector_load %arg10[%swap3A_156, %swap3A_157] {strides = array<i32>} : memref<160x128xi32, #tpu.memory_space<vmem>>, vector<1x16xi32>,
      %swap3A_159 = vector.shape_cast %swap3A_158 : vector<1x16xi32> to vector<16xi32>
      %swap3A_160 = vector.shape_cast %select_n3A_155 : vector<16xi32> to vector<1x16xi32>
      tpu.vector_store %arg10[%swap3A_156, %swap3A_157], %swap3A_160 {strides = array<i32>} : memref<160x128xi32, #tpu.memory_space<vmem>>, vector<1x16xi32>,
      %get3A_161 = arith.index_cast %scan3A_103 : i32 to index
      %get3A_162 = arith.constant 48 : index
      %get3A_163 = tpu.vector_load %arg9[%get3A_161, %get3A_162] {strides = array<i32>} : memref<160x128xi32, #tpu.memory_space<vmem>>, vector<1x16xi32>,
      %get3A_164 = vector.shape_cast %get3A_163 : vector<1x16xi32> to vector<16xi32>
      %sub3A_165 = vector.broadcast %add3A_40 : i32 to vector<16xi32>
      %sub3A_166 = arith.subi %get3A_164, %sub3A_165 : vector<16xi32>
      %ge3A_167 = arith.constant 0 : i32
      %ge3A_168 = vector.broadcast %ge3A_167 : i32 to vector<16xi32>
      %ge3A_169 = arith.cmpi sge, %sub3A_166, %ge3A_168 : vector<16xi32>
      %lt3A_170 = arith.constant 5000 : i32
      %lt3A_171 = vector.broadcast %lt3A_170 : i32 to vector<16xi32>
      %lt3A_172 = arith.cmpi slt, %sub3A_166, %lt3A_171 : vector<16xi32>
      %and3A_173 = arith.andi %ge3A_169, %lt3A_172 : vector<16xi1>
      %jit3A_174 = arith.constant 5000 : i32
      %broadcast_in_dim3A_175 = vector.broadcast %jit3A_174 : i32 to vector<16xi32>
      %select_n3A_176 = arith.select %and3A_173, %sub3A_166, %broadcast_in_dim3A_175 : vector<16xi1>, vector<16xi32>
      %swap3A_177 = arith.index_cast %scan3A_103 : i32 to index
      %swap3A_178 = arith.constant 48 : index
      %swap3A_179 = tpu.vector_load %arg10[%swap3A_177, %swap3A_178] {strides = array<i32>} : memref<160x128xi32, #tpu.memory_space<vmem>>, vector<1x16xi32>,
      %swap3A_180 = vector.shape_cast %swap3A_179 : vector<1x16xi32> to vector<16xi32>
      %swap3A_181 = vector.shape_cast %select_n3A_176 : vector<16xi32> to vector<1x16xi32>
      tpu.vector_store %arg10[%swap3A_177, %swap3A_178], %swap3A_181 {strides = array<i32>} : memref<160x128xi32, #tpu.memory_space<vmem>>, vector<1x16xi32>,
      %get3A_182 = arith.index_cast %scan3A_103 : i32 to index
      %get3A_183 = arith.constant 64 : index
      %get3A_184 = tpu.vector_load %arg9[%get3A_182, %get3A_183] {strides = array<i32>} : memref<160x128xi32, #tpu.memory_space<vmem>>, vector<1x16xi32>,
      %get3A_185 = vector.shape_cast %get3A_184 : vector<1x16xi32> to vector<16xi32>
      %sub3A_186 = vector.broadcast %add3A_40 : i32 to vector<16xi32>
      %sub3A_187 = arith.subi %get3A_185, %sub3A_186 : vector<16xi32>
      %ge3A_188 = arith.constant 0 : i32
      %ge3A_189 = vector.broadcast %ge3A_188 : i32 to vector<16xi32>
      %ge3A_190 = arith.cmpi sge, %sub3A_187, %ge3A_189 : vector<16xi32>
      %lt3A_191 = arith.constant 5000 : i32
      %lt3A_192 = vector.broadcast %lt3A_191 : i32 to vector<16xi32>
      %lt3A_193 = arith.cmpi slt, %sub3A_187, %lt3A_192 : vector<16xi32>
      %and3A_194 = arith.andi %ge3A_190, %lt3A_193 : vector<16xi1>
      %jit3A_195 = arith.constant 5000 : i32
      %broadcast_in_dim3A_196 = vector.broadcast %jit3A_195 : i32 to vector<16xi32>
      %select_n3A_197 = arith.select %and3A_194, %sub3A_187, %broadcast_in_dim3A_196 : vector<16xi1>, vector<16xi32>
      %swap3A_198 = arith.index_cast %scan3A_103 : i32 to index
      %swap3A_199 = arith.constant 64 : index
      %swap3A_200 = tpu.vector_load %arg10[%swap3A_198, %swap3A_199] {strides = array<i32>} : memref<160x128xi32, #tpu.memory_space<vmem>>, vector<1x16xi32>,
      %swap3A_201 = vector.shape_cast %swap3A_200 : vector<1x16xi32> to vector<16xi32>
      %swap3A_202 = vector.shape_cast %select_n3A_197 : vector<16xi32> to vector<1x16xi32>
      tpu.vector_store %arg10[%swap3A_198, %swap3A_199], %swap3A_202 {strides = array<i32>} : memref<160x128xi32, #tpu.memory_space<vmem>>, vector<1x16xi32>,
      %get3A_203 = arith.index_cast %scan3A_103 : i32 to index
      %get3A_204 = arith.constant 80 : index
      %get3A_205 = tpu.vector_load %arg9[%get3A_203, %get3A_204] {strides = array<i32>} : memref<160x128xi32, #tpu.memory_space<vmem>>, vector<1x16xi32>,
      %get3A_206 = vector.shape_cast %get3A_205 : vector<1x16xi32> to vector<16xi32>
      %sub3A_207 = vector.broadcast %add3A_40 : i32 to vector<16xi32>
      %sub3A_208 = arith.subi %get3A_206, %sub3A_207 : vector<16xi32>
      %ge3A_209 = arith.constant 0 : i32
      %ge3A_210 = vector.broadcast %ge3A_209 : i32 to vector<16xi32>
      %ge3A_211 = arith.cmpi sge, %sub3A_208, %ge3A_210 : vector<16xi32>
      %lt3A_212 = arith.constant 5000 : i32
      %lt3A_213 = vector.broadcast %lt3A_212 : i32 to vector<16xi32>
      %lt3A_214 = arith.cmpi slt, %sub3A_208, %lt3A_213 : vector<16xi32>
      %and3A_215 = arith.andi %ge3A_211, %lt3A_214 : vector<16xi1>
      %jit3A_216 = arith.constant 5000 : i32
      %broadcast_in_dim3A_217 = vector.broadcast %jit3A_216 : i32 to vector<16xi32>
      %select_n3A_218 = arith.select %and3A_215, %sub3A_208, %broadcast_in_dim3A_217 : vector<16xi1>, vector<16xi32>
      %swap3A_219 = arith.index_cast %scan3A_103 : i32 to index
      %swap3A_220 = arith.constant 80 : index
      %swap3A_221 = tpu.vector_load %arg10[%swap3A_219, %swap3A_220] {strides = array<i32>} : memref<160x128xi32, #tpu.memory_space<vmem>>, vector<1x16xi32>,
      %swap3A_222 = vector.shape_cast %swap3A_221 : vector<1x16xi32> to vector<16xi32>
      %swap3A_223 = vector.shape_cast %select_n3A_218 : vector<16xi32> to vector<1x16xi32>
      tpu.vector_store %arg10[%swap3A_219, %swap3A_220], %swap3A_223 {strides = array<i32>} : memref<160x128xi32, #tpu.memory_space<vmem>>, vector<1x16xi32>,
      %get3A_224 = arith.index_cast %scan3A_103 : i32 to index
      %get3A_225 = arith.constant 96 : index
      %get3A_226 = tpu.vector_load %arg9[%get3A_224, %get3A_225] {strides = array<i32>} : memref<160x128xi32, #tpu.memory_space<vmem>>, vector<1x16xi32>,
      %get3A_227 = vector.shape_cast %get3A_226 : vector<1x16xi32> to vector<16xi32>
      %sub3A_228 = vector.broadcast %add3A_40 : i32 to vector<16xi32>
      %sub3A_229 = arith.subi %get3A_227, %sub3A_228 : vector<16xi32>
      %ge3A_230 = arith.constant 0 : i32
      %ge3A_231 = vector.broadcast %ge3A_230 : i32 to vector<16xi32>
      %ge3A_232 = arith.cmpi sge, %sub3A_229, %ge3A_231 : vector<16xi32>
      %lt3A_233 = arith.constant 5000 : i32
      %lt3A_234 = vector.broadcast %lt3A_233 : i32 to vector<16xi32>
      %lt3A_235 = arith.cmpi slt, %sub3A_229, %lt3A_234 : vector<16xi32>
      %and3A_236 = arith.andi %ge3A_232, %lt3A_235 : vector<16xi1>
      %jit3A_237 = arith.constant 5000 : i32
      %broadcast_in_dim3A_238 = vector.broadcast %jit3A_237 : i32 to vector<16xi32>
      %select_n3A_239 = arith.select %and3A_236, %sub3A_229, %broadcast_in_dim3A_238 : vector<16xi1>, vector<16xi32>
      %swap3A_240 = arith.index_cast %scan3A_103 : i32 to index
      %swap3A_241 = arith.constant 96 : index
      %swap3A_242 = tpu.vector_load %arg10[%swap3A_240, %swap3A_241] {strides = array<i32>} : memref<160x128xi32, #tpu.memory_space<vmem>>, vector<1x16xi32>,
      %swap3A_243 = vector.shape_cast %swap3A_242 : vector<1x16xi32> to vector<16xi32>
      %swap3A_244 = vector.shape_cast %select_n3A_239 : vector<16xi32> to vector<1x16xi32>
      tpu.vector_store %arg10[%swap3A_240, %swap3A_241], %swap3A_244 {strides = array<i32>} : memref<160x128xi32, #tpu.memory_space<vmem>>, vector<1x16xi32>,
      %get3A_245 = arith.index_cast %scan3A_103 : i32 to index
      %get3A_246 = arith.constant 112 : index
      %get3A_247 = tpu.vector_load %arg9[%get3A_245, %get3A_246] {strides = array<i32>} : memref<160x128xi32, #tpu.memory_space<vmem>>, vector<1x16xi32>,
      %get3A_248 = vector.shape_cast %get3A_247 : vector<1x16xi32> to vector<16xi32>
      %sub3A_249 = vector.broadcast %add3A_40 : i32 to vector<16xi32>
      %sub3A_250 = arith.subi %get3A_248, %sub3A_249 : vector<16xi32>
      %ge3A_251 = arith.constant 0 : i32
      %ge3A_252 = vector.broadcast %ge3A_251 : i32 to vector<16xi32>
      %ge3A_253 = arith.cmpi sge, %sub3A_250, %ge3A_252 : vector<16xi32>
      %lt3A_254 = arith.constant 5000 : i32
      %lt3A_255 = vector.broadcast %lt3A_254 : i32 to vector<16xi32>
      %lt3A_256 = arith.cmpi slt, %sub3A_250, %lt3A_255 : vector<16xi32>
      %and3A_257 = arith.andi %ge3A_253, %lt3A_256 : vector<16xi1>
      %jit3A_258 = arith.constant 5000 : i32
      %broadcast_in_dim3A_259 = vector.broadcast %jit3A_258 : i32 to vector<16xi32>
      %select_n3A_260 = arith.select %and3A_257, %sub3A_250, %broadcast_in_dim3A_259 : vector<16xi1>, vector<16xi32>
      %swap3A_261 = arith.index_cast %scan3A_103 : i32 to index
      %swap3A_262 = arith.constant 112 : index
      %swap3A_263 = tpu.vector_load %arg10[%swap3A_261, %swap3A_262] {strides = array<i32>} : memref<160x128xi32, #tpu.memory_space<vmem>>, vector<1x16xi32>,
      %swap3A_264 = vector.shape_cast %swap3A_263 : vector<1x16xi32> to vector<16xi32>
      %swap3A_265 = vector.shape_cast %select_n3A_260 : vector<16xi32> to vector<1x16xi32>
      tpu.vector_store %arg10[%swap3A_261, %swap3A_262], %swap3A_265 {strides = array<i32>} : memref<160x128xi32, #tpu.memory_space<vmem>>, vector<1x16xi32>,
    }
    %scan3A_46 = arith.constant 160 : i32
    %barrier3A = arith.constant 0 : index
    tpu.barrier barrier_id(%barrier3A)
    %scan3A_47 = arith.constant 0 : i32
    %scan3A_48 = arith.constant 0 : i32
    %scan3A_49 = arith.constant 160 : i32
    %scan3A_50 = arith.addi %scan3A_48, %scan3A_49 : i32
    %scan3A_51 = arith.constant 1 : i32
    scf.for %scan3A_103 = %scan3A_48 to %scan3A_50 step %scan3A_51  : i32 {
      %dma_start3A = arith.constant 0 : i32
      %dma_start3A_104 = tpu.memref_slice %arg8[%scan3A_103, %dma_start3A] : memref<160x128xi32, #tpu.memory_space<vmem>> -> memref<1x128xi32, #tpu.memory_space<vmem>>
      %dma_start3A_105 = tpu.memref_squeeze %dma_start3A_104 : memref<1x128xi32, #tpu.memory_space<vmem>> -> memref<128xi32, #tpu.memory_space<vmem>>
      %dma_start3A_106 = arith.constant 0 : i32
      %dma_start3A_107 = arith.constant 0 : i32
      %dma_start3A_108 = tpu.memref_slice %arg2[%dma_start3A_106, %dma_start3A_107] : memref<20480x64xf32, #tpu.memory_space<hbm>> -> memref<20480x64xf32, #tpu.memory_space<hbm>>
      tpu.enqueue_indirect_dma source(%dma_start3A_108 : memref<20480x64xf32, #tpu.memory_space<hbm>>) target(%arg11 : memref<128x64xf32, #tpu.memory_space<vmem>>) offsets(%dma_start3A_105 : memref<128xi32, #tpu.memory_space<vmem>>) semaphore(%arg17 : memref<!tpu.dma_semaphore, #tpu.memory_space<semaphore_mem>>)
      %dma_wait3A = arith.constant 0 : i32
      %dma_wait3A_109 = tpu.memref_slice %arg8[%scan3A_103, %dma_wait3A] : memref<160x128xi32, #tpu.memory_space<vmem>> -> memref<1x128xi32, #tpu.memory_space<vmem>>
      %dma_wait3A_110 = tpu.memref_squeeze %dma_wait3A_109 : memref<1x128xi32, #tpu.memory_space<vmem>> -> memref<128xi32, #tpu.memory_space<vmem>>
      %dma_wait3A_111 = arith.constant 0 : i32
      %dma_wait3A_112 = arith.constant 0 : i32
      %dma_wait3A_113 = tpu.memref_slice %arg2[%dma_wait3A_111, %dma_wait3A_112] : memref<20480x64xf32, #tpu.memory_space<hbm>> -> memref<20480x64xf32, #tpu.memory_space<hbm>>
      tpu.wait_indirect_dma semaphore(%arg17 : memref<!tpu.dma_semaphore, #tpu.memory_space<semaphore_mem>>) src(%dma_wait3A_113 : memref<20480x64xf32, #tpu.memory_space<hbm>>) dst(%arg11 : memref<128x64xf32, #tpu.memory_space<vmem>>)
      %dma_start3A_114 = arith.constant 0 : i32
      %dma_start3A_115 = tpu.memref_slice %arg9[%scan3A_103, %dma_start3A_114] : memref<160x128xi32, #tpu.memory_space<vmem>> -> memref<1x128xi32, #tpu.memory_space<vmem>>
      %dma_start3A_116 = tpu.memref_squeeze %dma_start3A_115 : memref<1x128xi32, #tpu.memory_space<vmem>> -> memref<128xi32, #tpu.memory_space<vmem>>
      %dma_start3A_117 = arith.constant 0 : i32
      %dma_start3A_118 = arith.constant 0 : i32
      %dma_start3A_119 = tpu.memref_slice %arg3[%dma_start3A_117, %dma_start3A_118] : memref<20480x64xf32, #tpu.memory_space<hbm>> -> memref<20480x64xf32, #tpu.memory_space<hbm>>
      tpu.enqueue_indirect_dma source(%dma_start3A_119 : memref<20480x64xf32, #tpu.memory_space<hbm>>) target(%arg12 : memref<128x64xf32, #tpu.memory_space<vmem>>) offsets(%dma_start3A_116 : memref<128xi32, #tpu.memory_space<vmem>>) semaphore(%arg17 : memref<!tpu.dma_semaphore, #tpu.memory_space<semaphore_mem>>)
      %dma_wait3A_120 = arith.constant 0 : i32
      %dma_wait3A_121 = tpu.memref_slice %arg9[%scan3A_103, %dma_wait3A_120] : memref<160x128xi32, #tpu.memory_space<vmem>> -> memref<1x128xi32, #tpu.memory_space<vmem>>
      %dma_wait3A_122 = tpu.memref_squeeze %dma_wait3A_121 : memref<1x128xi32, #tpu.memory_space<vmem>> -> memref<128xi32, #tpu.memory_space<vmem>>
      %dma_wait3A_123 = arith.constant 0 : i32
      %dma_wait3A_124 = arith.constant 0 : i32
      %dma_wait3A_125 = tpu.memref_slice %arg3[%dma_wait3A_123, %dma_wait3A_124] : memref<20480x64xf32, #tpu.memory_space<hbm>> -> memref<20480x64xf32, #tpu.memory_space<hbm>>
      tpu.wait_indirect_dma semaphore(%arg17 : memref<!tpu.dma_semaphore, #tpu.memory_space<semaphore_mem>>) src(%dma_wait3A_125 : memref<20480x64xf32, #tpu.memory_space<hbm>>) dst(%arg12 : memref<128x64xf32, #tpu.memory_space<vmem>>)
      %scan3A_126 = arith.constant 0 : i32
      %scan3A_127 = arith.constant 0 : i32
      %scan3A_128 = arith.constant 128 : i32
      %scan3A_129 = arith.addi %scan3A_127, %scan3A_128 : i32
      %scan3A_130 = arith.constant 1 : i32
      scf.for %scan3A_137 = %scan3A_127 to %scan3A_129 step %scan3A_130  : i32 {
        %get3A = arith.index_cast %scan3A_137 : i32 to index
        %get3A_138 = arith.constant 0 : index
        %get3A_139 = tpu.vector_load %arg11[%get3A, %get3A_138] {strides = array<i32>} : memref<128x64xf32, #tpu.memory_space<vmem>>, vector<1x16xf32>,
        %get3A_140 = vector.shape_cast %get3A_139 : vector<1x16xf32> to vector<16xf32>
        %get3A_141 = arith.index_cast %scan3A_137 : i32 to index
        %get3A_142 = arith.constant 0 : index
        %get3A_143 = tpu.vector_load %arg12[%get3A_141, %get3A_142] {strides = array<i32>} : memref<128x64xf32, #tpu.memory_space<vmem>>, vector<1x16xf32>,
        %get3A_144 = vector.shape_cast %get3A_143 : vector<1x16xf32> to vector<16xf32>
        %add3A_145 = arith.addf %get3A_140, %get3A_144 : vector<16xf32>
        %max3A = arith.constant 0.000000e+00 : f32
        %max3A_146 = vector.broadcast %max3A : f32 to vector<16xf32>
        %max3A_147 = arith.maximumf %add3A_145, %max3A_146 : vector<16xf32>
        %swap3A = arith.index_cast %scan3A_137 : i32 to index
        %swap3A_148 = arith.constant 0 : index
        %swap3A_149 = tpu.vector_load %arg13[%swap3A, %swap3A_148] {strides = array<i32>} : memref<128x64xf32, #tpu.memory_space<vmem>>, vector<1x16xf32>,
        %swap3A_150 = vector.shape_cast %swap3A_149 : vector<1x16xf32> to vector<16xf32>
        %swap3A_151 = vector.shape_cast %max3A_147 : vector<16xf32> to vector<1x16xf32>
        tpu.vector_store %arg13[%swap3A, %swap3A_148], %swap3A_151 {strides = array<i32>} : memref<128x64xf32, #tpu.memory_space<vmem>>, vector<1x16xf32>,
        %get3A_152 = arith.index_cast %scan3A_137 : i32 to index
        %get3A_153 = arith.constant 16 : index
        %get3A_154 = tpu.vector_load %arg11[%get3A_152, %get3A_153] {strides = array<i32>} : memref<128x64xf32, #tpu.memory_space<vmem>>, vector<1x16xf32>,
        %get3A_155 = vector.shape_cast %get3A_154 : vector<1x16xf32> to vector<16xf32>
        %get3A_156 = arith.index_cast %scan3A_137 : i32 to index
        %get3A_157 = arith.constant 16 : index
        %get3A_158 = tpu.vector_load %arg12[%get3A_156, %get3A_157] {strides = array<i32>} : memref<128x64xf32, #tpu.memory_space<vmem>>, vector<1x16xf32>,
        %get3A_159 = vector.shape_cast %get3A_158 : vector<1x16xf32> to vector<16xf32>
        %add3A_160 = arith.addf %get3A_155, %get3A_159 : vector<16xf32>
        %max3A_161 = arith.constant 0.000000e+00 : f32
        %max3A_162 = vector.broadcast %max3A_161 : f32 to vector<16xf32>
        %max3A_163 = arith.maximumf %add3A_160, %max3A_162 : vector<16xf32>
        %swap3A_164 = arith.index_cast %scan3A_137 : i32 to index
        %swap3A_165 = arith.constant 16 : index
        %swap3A_166 = tpu.vector_load %arg13[%swap3A_164, %swap3A_165] {strides = array<i32>} : memref<128x64xf32, #tpu.memory_space<vmem>>, vector<1x16xf32>,
        %swap3A_167 = vector.shape_cast %swap3A_166 : vector<1x16xf32> to vector<16xf32>
        %swap3A_168 = vector.shape_cast %max3A_163 : vector<16xf32> to vector<1x16xf32>
        tpu.vector_store %arg13[%swap3A_164, %swap3A_165], %swap3A_168 {strides = array<i32>} : memref<128x64xf32, #tpu.memory_space<vmem>>, vector<1x16xf32>,
        %get3A_169 = arith.index_cast %scan3A_137 : i32 to index
        %get3A_170 = arith.constant 32 : index
        %get3A_171 = tpu.vector_load %arg11[%get3A_169, %get3A_170] {strides = array<i32>} : memref<128x64xf32, #tpu.memory_space<vmem>>, vector<1x16xf32>,
        %get3A_172 = vector.shape_cast %get3A_171 : vector<1x16xf32> to vector<16xf32>
        %get3A_173 = arith.index_cast %scan3A_137 : i32 to index
        %get3A_174 = arith.constant 32 : index
        %get3A_175 = tpu.vector_load %arg12[%get3A_173, %get3A_174] {strides = array<i32>} : memref<128x64xf32, #tpu.memory_space<vmem>>, vector<1x16xf32>,
        %get3A_176 = vector.shape_cast %get3A_175 : vector<1x16xf32> to vector<16xf32>
        %add3A_177 = arith.addf %get3A_172, %get3A_176 : vector<16xf32>
        %max3A_178 = arith.constant 0.000000e+00 : f32
        %max3A_179 = vector.broadcast %max3A_178 : f32 to vector<16xf32>
        %max3A_180 = arith.maximumf %add3A_177, %max3A_179 : vector<16xf32>
        %swap3A_181 = arith.index_cast %scan3A_137 : i32 to index
        %swap3A_182 = arith.constant 32 : index
        %swap3A_183 = tpu.vector_load %arg13[%swap3A_181, %swap3A_182] {strides = array<i32>} : memref<128x64xf32, #tpu.memory_space<vmem>>, vector<1x16xf32>,
        %swap3A_184 = vector.shape_cast %swap3A_183 : vector<1x16xf32> to vector<16xf32>
        %swap3A_185 = vector.shape_cast %max3A_180 : vector<16xf32> to vector<1x16xf32>
        tpu.vector_store %arg13[%swap3A_181, %swap3A_182], %swap3A_185 {strides = array<i32>} : memref<128x64xf32, #tpu.memory_space<vmem>>, vector<1x16xf32>,
        %get3A_186 = arith.index_cast %scan3A_137 : i32 to index
        %get3A_187 = arith.constant 48 : index
        %get3A_188 = tpu.vector_load %arg11[%get3A_186, %get3A_187] {strides = array<i32>} : memref<128x64xf32, #tpu.memory_space<vmem>>, vector<1x16xf32>,
        %get3A_189 = vector.shape_cast %get3A_188 : vector<1x16xf32> to vector<16xf32>
        %get3A_190 = arith.index_cast %scan3A_137 : i32 to index
        %get3A_191 = arith.constant 48 : index
        %get3A_192 = tpu.vector_load %arg12[%get3A_190, %get3A_191] {strides = array<i32>} : memref<128x64xf32, #tpu.memory_space<vmem>>, vector<1x16xf32>,
        %get3A_193 = vector.shape_cast %get3A_192 : vector<1x16xf32> to vector<16xf32>
        %add3A_194 = arith.addf %get3A_189, %get3A_193 : vector<16xf32>
        %max3A_195 = arith.constant 0.000000e+00 : f32
        %max3A_196 = vector.broadcast %max3A_195 : f32 to vector<16xf32>
        %max3A_197 = arith.maximumf %add3A_194, %max3A_196 : vector<16xf32>
        %swap3A_198 = arith.index_cast %scan3A_137 : i32 to index
        %swap3A_199 = arith.constant 48 : index
        %swap3A_200 = tpu.vector_load %arg13[%swap3A_198, %swap3A_199] {strides = array<i32>} : memref<128x64xf32, #tpu.memory_space<vmem>>, vector<1x16xf32>,
        %swap3A_201 = vector.shape_cast %swap3A_200 : vector<1x16xf32> to vector<16xf32>
        %swap3A_202 = vector.shape_cast %max3A_197 : vector<16xf32> to vector<1x16xf32>
        tpu.vector_store %arg13[%swap3A_198, %swap3A_199], %swap3A_202 {strides = array<i32>} : memref<128x64xf32, #tpu.memory_space<vmem>>, vector<1x16xf32>,
      }
      %scan3A_131 = arith.constant 128 : i32
      "tpu.region"() ({
        %run_scoped3A_137 = tpu.sem_alloc : memref<!tpu.dma_semaphore, #tpu.memory_space<semaphore_mem>>
        %dma_start3A_138 = arith.constant 0 : i32
        %dma_start3A_139 = tpu.memref_slice %arg10[%scan3A_103, %dma_start3A_138] : memref<160x128xi32, #tpu.memory_space<vmem>> -> memref<1x128xi32, #tpu.memory_space<vmem>>
        %dma_start3A_140 = tpu.memref_squeeze %dma_start3A_139 : memref<1x128xi32, #tpu.memory_space<vmem>> -> memref<128xi32, #tpu.memory_space<vmem>>
        %dma_start3A_141 = arith.constant 0 : i32
        %dma_start3A_142 = arith.constant 0 : i32
        %dma_start3A_143 = tpu.memref_slice %arg15[%dma_start3A_141, %dma_start3A_142] : memref<5120x64xf32, #tpu.memory_space<vmem_shared>> -> memref<5120x64xf32, #tpu.memory_space<vmem_shared>>
        tpu.enqueue_indirect_dma source(%arg13 : memref<128x64xf32, #tpu.memory_space<vmem>>) target(%dma_start3A_143 : memref<5120x64xf32, #tpu.memory_space<vmem_shared>>) offsets(%dma_start3A_140 : memref<128xi32, #tpu.memory_space<vmem>>) semaphore(%run_scoped3A_137 : memref<!tpu.dma_semaphore, #tpu.memory_space<semaphore_mem>>) {add = true}
        %dma_wait3A_144 = arith.constant 0 : i32
        %dma_wait3A_145 = tpu.memref_slice %arg10[%scan3A_103, %dma_wait3A_144] : memref<160x128xi32, #tpu.memory_space<vmem>> -> memref<1x128xi32, #tpu.memory_space<vmem>>
        %dma_wait3A_146 = tpu.memref_squeeze %dma_wait3A_145 : memref<1x128xi32, #tpu.memory_space<vmem>> -> memref<128xi32, #tpu.memory_space<vmem>>
        %dma_wait3A_147 = arith.constant 0 : i32
        %dma_wait3A_148 = arith.constant 0 : i32
        %dma_wait3A_149 = tpu.memref_slice %arg15[%dma_wait3A_147, %dma_wait3A_148] : memref<5120x64xf32, #tpu.memory_space<vmem_shared>> -> memref<5120x64xf32, #tpu.memory_space<vmem_shared>>
        tpu.wait_indirect_dma semaphore(%run_scoped3A_137 : memref<!tpu.dma_semaphore, #tpu.memory_space<semaphore_mem>>) src(%arg13 : memref<128x64xf32, #tpu.memory_space<vmem>>) dst(%dma_wait3A_149 : memref<5120x64xf32, #tpu.memory_space<vmem_shared>>)
        tpu.yield
      }) : () -> ()
      %eq3A_132 = arith.constant 0 : i32
      %eq3A_133 = arith.cmpi eq, %arg0, %eq3A_132 : i32
      %convert_element_type3A_134 = arith.extui %eq3A_133 : i1 to i32
      %cond3A_135 = arith.constant 0 : i32
      %cond3A_136 = arith.cmpi ne, %convert_element_type3A_134, %cond3A_135 : i32
      scf.if %cond3A_136 {
        "tpu.region"() ({
          %run_scoped3A_137 = tpu.sem_alloc : memref<!tpu.dma_semaphore, #tpu.memory_space<semaphore_mem>>
          %dma_start3A_138 = arith.constant 0 : i32
          %dma_start3A_139 = tpu.memref_slice %arg10[%scan3A_103, %dma_start3A_138] : memref<160x128xi32, #tpu.memory_space<vmem>> -> memref<1x128xi32, #tpu.memory_space<vmem>>
          %dma_start3A_140 = tpu.memref_squeeze %dma_start3A_139 : memref<1x128xi32, #tpu.memory_space<vmem>> -> memref<128xi32, #tpu.memory_space<vmem>>
          %dma_start3A_141 = arith.constant 0 : i32
          %dma_start3A_142 = arith.constant 0 : i32
          %dma_start3A_143 = tpu.memref_slice %arg16[%dma_start3A_141, %dma_start3A_142] : memref<5120x16xf32, #tpu.memory_space<vmem_shared>> -> memref<5120x16xf32, #tpu.memory_space<vmem_shared>>
          tpu.enqueue_indirect_dma source(%arg14 : memref<128x16xf32, #tpu.memory_space<vmem>>) target(%dma_start3A_143 : memref<5120x16xf32, #tpu.memory_space<vmem_shared>>) offsets(%dma_start3A_140 : memref<128xi32, #tpu.memory_space<vmem>>) semaphore(%run_scoped3A_137 : memref<!tpu.dma_semaphore, #tpu.memory_space<semaphore_mem>>) {add = true}
          %dma_wait3A_144 = arith.constant 0 : i32
          %dma_wait3A_145 = tpu.memref_slice %arg10[%scan3A_103, %dma_wait3A_144] : memref<160x128xi32, #tpu.memory_space<vmem>> -> memref<1x128xi32, #tpu.memory_space<vmem>>
          %dma_wait3A_146 = tpu.memref_squeeze %dma_wait3A_145 : memref<1x128xi32, #tpu.memory_space<vmem>> -> memref<128xi32, #tpu.memory_space<vmem>>
          %dma_wait3A_147 = arith.constant 0 : i32
          %dma_wait3A_148 = arith.constant 0 : i32
          %dma_wait3A_149 = tpu.memref_slice %arg16[%dma_wait3A_147, %dma_wait3A_148] : memref<5120x16xf32, #tpu.memory_space<vmem_shared>> -> memref<5120x16xf32, #tpu.memory_space<vmem_shared>>
          tpu.wait_indirect_dma semaphore(%run_scoped3A_137 : memref<!tpu.dma_semaphore, #tpu.memory_space<semaphore_mem>>) src(%arg14 : memref<128x16xf32, #tpu.memory_space<vmem>>) dst(%dma_wait3A_149 : memref<5120x16xf32, #tpu.memory_space<vmem_shared>>)
          tpu.yield
        }) : () -> ()
      } else {
      }
    }
    %scan3A_52 = arith.constant 160 : i32
    %barrier3A_53 = arith.constant 0 : index
    tpu.barrier barrier_id(%barrier3A_53)
    %run_scoped3A = arith.constant 0 : i32
    "tpu.region"() ({
      %run_scoped3A_103 = tpu.sem_alloc : memref<!tpu.dma_semaphore, #tpu.memory_space<semaphore_mem>>
      %dma_start3A = arith.constant 0 : i32
      %dma_start3A_104 = tpu.memref_slice %arg6[%arg0, %run_scoped3A, %mul3A_0, %dma_start3A] : memref<2x2x5120x64xf32, #tpu.memory_space<hbm>> -> memref<1x1x320x64xf32, #tpu.memory_space<hbm>>
      %dma_start3A_105 = tpu.memref_squeeze %dma_start3A_104 : memref<1x1x320x64xf32, #tpu.memory_space<hbm>> -> memref<320x64xf32, #tpu.memory_space<hbm>>
      %dma_start3A_106 = arith.constant 0 : i32
      %dma_start3A_107 = tpu.memref_slice %arg15[%mul3A_0, %dma_start3A_106] : memref<5120x64xf32, #tpu.memory_space<vmem_shared>> -> memref<320x64xf32, #tpu.memory_space<vmem_shared>>
      tpu.enqueue_dma source(%dma_start3A_107 : memref<320x64xf32, #tpu.memory_space<vmem_shared>>) target(%dma_start3A_105 : memref<320x64xf32, #tpu.memory_space<hbm>>) target_semaphore(%run_scoped3A_103 : memref<!tpu.dma_semaphore, #tpu.memory_space<semaphore_mem>>)
      %dma_wait3A = arith.constant 0 : i32
      %dma_wait3A_108 = tpu.memref_slice %arg6[%arg0, %run_scoped3A, %mul3A_0, %dma_wait3A] : memref<2x2x5120x64xf32, #tpu.memory_space<hbm>> -> memref<1x1x320x64xf32, #tpu.memory_space<hbm>>
      %dma_wait3A_109 = tpu.memref_squeeze %dma_wait3A_108 : memref<1x1x320x64xf32, #tpu.memory_space<hbm>> -> memref<320x64xf32, #tpu.memory_space<hbm>>
      %dma_wait3A_110 = arith.constant 0 : i32
      %dma_wait3A_111 = tpu.memref_slice %arg15[%mul3A_0, %dma_wait3A_110] : memref<5120x64xf32, #tpu.memory_space<vmem_shared>> -> memref<320x64xf32, #tpu.memory_space<vmem_shared>>
      tpu.wait_dma2 semaphore(%run_scoped3A_103 : memref<!tpu.dma_semaphore, #tpu.memory_space<semaphore_mem>>) src(%dma_wait3A_111 : memref<320x64xf32, #tpu.memory_space<vmem_shared>>) dst(%dma_wait3A_109 : memref<320x64xf32, #tpu.memory_space<hbm>>)
      tpu.yield
    }) : () -> ()
    %eq3A_54 = arith.constant 0 : i32
    %eq3A_55 = arith.cmpi eq, %arg0, %eq3A_54 : i32
    %convert_element_type3A = arith.extui %eq3A_55 : i1 to i32
    %cond3A = arith.constant 0 : i32
    %cond3A_56 = arith.cmpi ne, %convert_element_type3A, %cond3A : i32
    scf.if %cond3A_56 {
      %run_scoped3A_103 = arith.constant 0 : i32
      "tpu.region"() ({
        %run_scoped3A_104 = tpu.sem_alloc : memref<!tpu.dma_semaphore, #tpu.memory_space<semaphore_mem>>
        %dma_start3A = arith.constant 0 : i32
        %dma_start3A_105 = tpu.memref_slice %arg7[%run_scoped3A_103, %mul3A_0, %dma_start3A] : memref<2x5120x16xf32, #tpu.memory_space<hbm>> -> memref<1x320x16xf32, #tpu.memory_space<hbm>>
        %dma_start3A_106 = tpu.memref_squeeze %dma_start3A_105 : memref<1x320x16xf32, #tpu.memory_space<hbm>> -> memref<320x16xf32, #tpu.memory_space<hbm>>
        %dma_start3A_107 = arith.constant 0 : i32
        %dma_start3A_108 = tpu.memref_slice %arg16[%mul3A_0, %dma_start3A_107] : memref<5120x16xf32, #tpu.memory_space<vmem_shared>> -> memref<320x16xf32, #tpu.memory_space<vmem_shared>>
        tpu.enqueue_dma source(%dma_start3A_108 : memref<320x16xf32, #tpu.memory_space<vmem_shared>>) target(%dma_start3A_106 : memref<320x16xf32, #tpu.memory_space<hbm>>) target_semaphore(%run_scoped3A_104 : memref<!tpu.dma_semaphore, #tpu.memory_space<semaphore_mem>>)
        %dma_wait3A = arith.constant 0 : i32
        %dma_wait3A_109 = tpu.memref_slice %arg7[%run_scoped3A_103, %mul3A_0, %dma_wait3A] : memref<2x5120x16xf32, #tpu.memory_space<hbm>> -> memref<1x320x16xf32, #tpu.memory_space<hbm>>
        %dma_wait3A_110 = tpu.memref_squeeze %dma_wait3A_109 : memref<1x320x16xf32, #tpu.memory_space<hbm>> -> memref<320x16xf32, #tpu.memory_space<hbm>>
        %dma_wait3A_111 = arith.constant 0 : i32
        %dma_wait3A_112 = tpu.memref_slice %arg16[%mul3A_0, %dma_wait3A_111] : memref<5120x16xf32, #tpu.memory_space<vmem_shared>> -> memref<320x16xf32, #tpu.memory_space<vmem_shared>>
        tpu.wait_dma2 semaphore(%run_scoped3A_104 : memref<!tpu.dma_semaphore, #tpu.memory_space<semaphore_mem>>) src(%dma_wait3A_112 : memref<320x16xf32, #tpu.memory_space<vmem_shared>>) dst(%dma_wait3A_110 : memref<320x16xf32, #tpu.memory_space<hbm>>)
        tpu.yield
      }) : () -> ()
    } else {
    }
    %barrier3A_57 = arith.constant 0 : index
    tpu.barrier barrier_id(%barrier3A_57)
    %scan3A_58 = arith.constant 0 : i32
    %scan3A_59 = arith.constant 0 : i32
    %scan3A_60 = arith.constant 128 : i32
    %scan3A_61 = arith.addi %scan3A_59, %scan3A_60 : i32
    %scan3A_62 = arith.constant 1 : i32
    scf.for %scan3A_103 = %scan3A_59 to %scan3A_61 step %scan3A_62  : i32 {
      %swap3A = arith.index_cast %scan3A_103 : i32 to index
      %swap3A_104 = arith.constant 0 : index
      %swap3A_105 = tpu.vector_load %arg13[%swap3A, %swap3A_104] {strides = array<i32>} : memref<128x64xf32, #tpu.memory_space<vmem>>, vector<1x16xf32>,
      %swap3A_106 = vector.shape_cast %swap3A_105 : vector<1x16xf32> to vector<16xf32>
      %swap3A_107 = vector.shape_cast %broadcast_in_dim3A_1 : vector<16xf32> to vector<1x16xf32>
      tpu.vector_store %arg13[%swap3A, %swap3A_104], %swap3A_107 {strides = array<i32>} : memref<128x64xf32, #tpu.memory_space<vmem>>, vector<1x16xf32>,
      %swap3A_108 = arith.index_cast %scan3A_103 : i32 to index
      %swap3A_109 = arith.constant 16 : index
      %swap3A_110 = tpu.vector_load %arg13[%swap3A_108, %swap3A_109] {strides = array<i32>} : memref<128x64xf32, #tpu.memory_space<vmem>>, vector<1x16xf32>,
      %swap3A_111 = vector.shape_cast %swap3A_110 : vector<1x16xf32> to vector<16xf32>
      %swap3A_112 = vector.shape_cast %broadcast_in_dim3A_1 : vector<16xf32> to vector<1x16xf32>
      tpu.vector_store %arg13[%swap3A_108, %swap3A_109], %swap3A_112 {strides = array<i32>} : memref<128x64xf32, #tpu.memory_space<vmem>>, vector<1x16xf32>,
      %swap3A_113 = arith.index_cast %scan3A_103 : i32 to index
      %swap3A_114 = arith.constant 32 : index
      %swap3A_115 = tpu.vector_load %arg13[%swap3A_113, %swap3A_114] {strides = array<i32>} : memref<128x64xf32, #tpu.memory_space<vmem>>, vector<1x16xf32>,
      %swap3A_116 = vector.shape_cast %swap3A_115 : vector<1x16xf32> to vector<16xf32>
      %swap3A_117 = vector.shape_cast %broadcast_in_dim3A_1 : vector<16xf32> to vector<1x16xf32>
      tpu.vector_store %arg13[%swap3A_113, %swap3A_114], %swap3A_117 {strides = array<i32>} : memref<128x64xf32, #tpu.memory_space<vmem>>, vector<1x16xf32>,
      %swap3A_118 = arith.index_cast %scan3A_103 : i32 to index
      %swap3A_119 = arith.constant 48 : index
      %swap3A_120 = tpu.vector_load %arg13[%swap3A_118, %swap3A_119] {strides = array<i32>} : memref<128x64xf32, #tpu.memory_space<vmem>>, vector<1x16xf32>,
      %swap3A_121 = vector.shape_cast %swap3A_120 : vector<1x16xf32> to vector<16xf32>
      %swap3A_122 = vector.shape_cast %broadcast_in_dim3A_1 : vector<16xf32> to vector<1x16xf32>
      tpu.vector_store %arg13[%swap3A_118, %swap3A_119], %swap3A_122 {strides = array<i32>} : memref<128x64xf32, #tpu.memory_space<vmem>>, vector<1x16xf32>,
      %swap3A_123 = arith.index_cast %scan3A_103 : i32 to index
      %swap3A_124 = arith.constant 0 : index
      %swap3A_125 = tpu.vector_load %arg14[%swap3A_123, %swap3A_124] {strides = array<i32>} : memref<128x16xf32, #tpu.memory_space<vmem>>, vector<1x16xf32>,
      %swap3A_126 = vector.shape_cast %swap3A_125 : vector<1x16xf32> to vector<16xf32>
      %swap3A_127 = vector.shape_cast %broadcast_in_dim3A_1 : vector<16xf32> to vector<1x16xf32>
      tpu.vector_store %arg14[%swap3A_123, %swap3A_124], %swap3A_127 {strides = array<i32>} : memref<128x16xf32, #tpu.memory_space<vmem>>, vector<1x16xf32>,
    }
    %scan3A_63 = arith.constant 128 : i32
    %add3A_64 = arith.constant 0 : i32
    %add3A_65 = arith.addi %mul3A_0, %add3A_64 : i32
    "tpu.region"() ({
      %run_scoped3A_103 = tpu.sem_alloc : memref<!tpu.dma_semaphore, #tpu.memory_space<semaphore_mem>>
      %dma_start3A = arith.constant 0 : i32
      %dma_start3A_104 = tpu.memref_slice %arg15[%add3A_65, %dma_start3A] : memref<5120x64xf32, #tpu.memory_space<vmem_shared>> -> memref<128x64xf32, #tpu.memory_space<vmem_shared>>
      %dma_start3A_105 = arith.constant 0 : i32
      %dma_start3A_106 = tpu.memref_slice %arg15[%add3A_65, %dma_start3A_105] : memref<5120x64xf32, #tpu.memory_space<vmem_shared>> -> memref<128x64xf32, #tpu.memory_space<vmem_shared>>
      tpu.enqueue_dma source(%arg13 : memref<128x64xf32, #tpu.memory_space<vmem>>) target(%dma_start3A_106 : memref<128x64xf32, #tpu.memory_space<vmem_shared>>) target_semaphore(%run_scoped3A_103 : memref<!tpu.dma_semaphore, #tpu.memory_space<semaphore_mem>>)
      %dma_wait3A = arith.constant 0 : i32
      %dma_wait3A_107 = tpu.memref_slice %arg15[%add3A_65, %dma_wait3A] : memref<5120x64xf32, #tpu.memory_space<vmem_shared>> -> memref<128x64xf32, #tpu.memory_space<vmem_shared>>
      %dma_wait3A_108 = arith.constant 0 : i32
      %dma_wait3A_109 = tpu.memref_slice %arg15[%add3A_65, %dma_wait3A_108] : memref<5120x64xf32, #tpu.memory_space<vmem_shared>> -> memref<128x64xf32, #tpu.memory_space<vmem_shared>>
      tpu.wait_dma2 semaphore(%run_scoped3A_103 : memref<!tpu.dma_semaphore, #tpu.memory_space<semaphore_mem>>) src(%arg13 : memref<128x64xf32, #tpu.memory_space<vmem>>) dst(%dma_wait3A_109 : memref<128x64xf32, #tpu.memory_space<vmem_shared>>)
      tpu.yield
    }) : () -> ()
    %add3A_66 = arith.constant 0 : i32
    %add3A_67 = arith.addi %mul3A_0, %add3A_66 : i32
    "tpu.region"() ({
      %run_scoped3A_103 = tpu.sem_alloc : memref<!tpu.dma_semaphore, #tpu.memory_space<semaphore_mem>>
      %dma_start3A = arith.constant 0 : i32
      %dma_start3A_104 = tpu.memref_slice %arg16[%add3A_67, %dma_start3A] : memref<5120x16xf32, #tpu.memory_space<vmem_shared>> -> memref<128x16xf32, #tpu.memory_space<vmem_shared>>
      %dma_start3A_105 = arith.constant 0 : i32
      %dma_start3A_106 = tpu.memref_slice %arg16[%add3A_67, %dma_start3A_105] : memref<5120x16xf32, #tpu.memory_space<vmem_shared>> -> memref<128x16xf32, #tpu.memory_space<vmem_shared>>
      tpu.enqueue_dma source(%arg14 : memref<128x16xf32, #tpu.memory_space<vmem>>) target(%dma_start3A_106 : memref<128x16xf32, #tpu.memory_space<vmem_shared>>) target_semaphore(%run_scoped3A_103 : memref<!tpu.dma_semaphore, #tpu.memory_space<semaphore_mem>>)
      %dma_wait3A = arith.constant 0 : i32
      %dma_wait3A_107 = tpu.memref_slice %arg16[%add3A_67, %dma_wait3A] : memref<5120x16xf32, #tpu.memory_space<vmem_shared>> -> memref<128x16xf32, #tpu.memory_space<vmem_shared>>
      %dma_wait3A_108 = arith.constant 0 : i32
      %dma_wait3A_109 = tpu.memref_slice %arg16[%add3A_67, %dma_wait3A_108] : memref<5120x16xf32, #tpu.memory_space<vmem_shared>> -> memref<128x16xf32, #tpu.memory_space<vmem_shared>>
      tpu.wait_dma2 semaphore(%run_scoped3A_103 : memref<!tpu.dma_semaphore, #tpu.memory_space<semaphore_mem>>) src(%arg14 : memref<128x16xf32, #tpu.memory_space<vmem>>) dst(%dma_wait3A_109 : memref<128x16xf32, #tpu.memory_space<vmem_shared>>)
      tpu.yield
    }) : () -> ()
    %add3A_68 = arith.constant 128 : i32
    %add3A_69 = arith.addi %mul3A_0, %add3A_68 : i32
    "tpu.region"() ({
      %run_scoped3A_103 = tpu.sem_alloc : memref<!tpu.dma_semaphore, #tpu.memory_space<semaphore_mem>>
      %dma_start3A = arith.constant 0 : i32
      %dma_start3A_104 = tpu.memref_slice %arg15[%add3A_69, %dma_start3A] : memref<5120x64xf32, #tpu.memory_space<vmem_shared>> -> memref<128x64xf32, #tpu.memory_space<vmem_shared>>
      %dma_start3A_105 = arith.constant 0 : i32
      %dma_start3A_106 = tpu.memref_slice %arg15[%add3A_69, %dma_start3A_105] : memref<5120x64xf32, #tpu.memory_space<vmem_shared>> -> memref<128x64xf32, #tpu.memory_space<vmem_shared>>
      tpu.enqueue_dma source(%arg13 : memref<128x64xf32, #tpu.memory_space<vmem>>) target(%dma_start3A_106 : memref<128x64xf32, #tpu.memory_space<vmem_shared>>) target_semaphore(%run_scoped3A_103 : memref<!tpu.dma_semaphore, #tpu.memory_space<semaphore_mem>>)
      %dma_wait3A = arith.constant 0 : i32
      %dma_wait3A_107 = tpu.memref_slice %arg15[%add3A_69, %dma_wait3A] : memref<5120x64xf32, #tpu.memory_space<vmem_shared>> -> memref<128x64xf32, #tpu.memory_space<vmem_shared>>
      %dma_wait3A_108 = arith.constant 0 : i32
      %dma_wait3A_109 = tpu.memref_slice %arg15[%add3A_69, %dma_wait3A_108] : memref<5120x64xf32, #tpu.memory_space<vmem_shared>> -> memref<128x64xf32, #tpu.memory_space<vmem_shared>>
      tpu.wait_dma2 semaphore(%run_scoped3A_103 : memref<!tpu.dma_semaphore, #tpu.memory_space<semaphore_mem>>) src(%arg13 : memref<128x64xf32, #tpu.memory_space<vmem>>) dst(%dma_wait3A_109 : memref<128x64xf32, #tpu.memory_space<vmem_shared>>)
      tpu.yield
    }) : () -> ()
    %add3A_70 = arith.constant 128 : i32
    %add3A_71 = arith.addi %mul3A_0, %add3A_70 : i32
    "tpu.region"() ({
      %run_scoped3A_103 = tpu.sem_alloc : memref<!tpu.dma_semaphore, #tpu.memory_space<semaphore_mem>>
      %dma_start3A = arith.constant 0 : i32
      %dma_start3A_104 = tpu.memref_slice %arg16[%add3A_71, %dma_start3A] : memref<5120x16xf32, #tpu.memory_space<vmem_shared>> -> memref<128x16xf32, #tpu.memory_space<vmem_shared>>
      %dma_start3A_105 = arith.constant 0 : i32
      %dma_start3A_106 = tpu.memref_slice %arg16[%add3A_71, %dma_start3A_105] : memref<5120x16xf32, #tpu.memory_space<vmem_shared>> -> memref<128x16xf32, #tpu.memory_space<vmem_shared>>
      tpu.enqueue_dma source(%arg14 : memref<128x16xf32, #tpu.memory_space<vmem>>) target(%dma_start3A_106 : memref<128x16xf32, #tpu.memory_space<vmem_shared>>) target_semaphore(%run_scoped3A_103 : memref<!tpu.dma_semaphore, #tpu.memory_space<semaphore_mem>>)
      %dma_wait3A = arith.constant 0 : i32
      %dma_wait3A_107 = tpu.memref_slice %arg16[%add3A_71, %dma_wait3A] : memref<5120x16xf32, #tpu.memory_space<vmem_shared>> -> memref<128x16xf32, #tpu.memory_space<vmem_shared>>
      %dma_wait3A_108 = arith.constant 0 : i32
      %dma_wait3A_109 = tpu.memref_slice %arg16[%add3A_71, %dma_wait3A_108] : memref<5120x16xf32, #tpu.memory_space<vmem_shared>> -> memref<128x16xf32, #tpu.memory_space<vmem_shared>>
      tpu.wait_dma2 semaphore(%run_scoped3A_103 : memref<!tpu.dma_semaphore, #tpu.memory_space<semaphore_mem>>) src(%arg14 : memref<128x16xf32, #tpu.memory_space<vmem>>) dst(%dma_wait3A_109 : memref<128x16xf32, #tpu.memory_space<vmem_shared>>)
      tpu.yield
    }) : () -> ()
    %add3A_72 = arith.constant 256 : i32
    %add3A_73 = arith.addi %mul3A_0, %add3A_72 : i32
    "tpu.region"() ({
      %run_scoped3A_103 = tpu.sem_alloc : memref<!tpu.dma_semaphore, #tpu.memory_space<semaphore_mem>>
      %dma_start3A = arith.constant 0 : i32
      %dma_start3A_104 = arith.constant 0 : i32
      %dma_start3A_105 = tpu.memref_slice %arg13[%dma_start3A, %dma_start3A_104] : memref<128x64xf32, #tpu.memory_space<vmem>> -> memref<64x64xf32, #tpu.memory_space<vmem>>
      %dma_start3A_106 = arith.constant 0 : i32
      %dma_start3A_107 = tpu.memref_slice %arg15[%add3A_73, %dma_start3A_106] : memref<5120x64xf32, #tpu.memory_space<vmem_shared>> -> memref<64x64xf32, #tpu.memory_space<vmem_shared>>
      %dma_start3A_108 = arith.constant 0 : i32
      %dma_start3A_109 = tpu.memref_slice %arg15[%add3A_73, %dma_start3A_108] : memref<5120x64xf32, #tpu.memory_space<vmem_shared>> -> memref<64x64xf32, #tpu.memory_space<vmem_shared>>
      %dma_start3A_110 = arith.constant 0 : i32
      %dma_start3A_111 = arith.constant 0 : i32
      %dma_start3A_112 = tpu.memref_slice %arg13[%dma_start3A_110, %dma_start3A_111] : memref<128x64xf32, #tpu.memory_space<vmem>> -> memref<64x64xf32, #tpu.memory_space<vmem>>
      tpu.enqueue_dma source(%dma_start3A_112 : memref<64x64xf32, #tpu.memory_space<vmem>>) target(%dma_start3A_109 : memref<64x64xf32, #tpu.memory_space<vmem_shared>>) target_semaphore(%run_scoped3A_103 : memref<!tpu.dma_semaphore, #tpu.memory_space<semaphore_mem>>)
      %dma_wait3A = arith.constant 0 : i32
      %dma_wait3A_113 = arith.constant 0 : i32
      %dma_wait3A_114 = tpu.memref_slice %arg13[%dma_wait3A, %dma_wait3A_113] : memref<128x64xf32, #tpu.memory_space<vmem>> -> memref<64x64xf32, #tpu.memory_space<vmem>>
      %dma_wait3A_115 = arith.constant 0 : i32
      %dma_wait3A_116 = tpu.memref_slice %arg15[%add3A_73, %dma_wait3A_115] : memref<5120x64xf32, #tpu.memory_space<vmem_shared>> -> memref<64x64xf32, #tpu.memory_space<vmem_shared>>
      %dma_wait3A_117 = arith.constant 0 : i32
      %dma_wait3A_118 = tpu.memref_slice %arg15[%add3A_73, %dma_wait3A_117] : memref<5120x64xf32, #tpu.memory_space<vmem_shared>> -> memref<64x64xf32, #tpu.memory_space<vmem_shared>>
      %dma_wait3A_119 = arith.constant 0 : i32
      %dma_wait3A_120 = arith.constant 0 : i32
      %dma_wait3A_121 = tpu.memref_slice %arg13[%dma_wait3A_119, %dma_wait3A_120] : memref<128x64xf32, #tpu.memory_space<vmem>> -> memref<64x64xf32, #tpu.memory_space<vmem>>
      tpu.wait_dma2 semaphore(%run_scoped3A_103 : memref<!tpu.dma_semaphore, #tpu.memory_space<semaphore_mem>>) src(%dma_wait3A_121 : memref<64x64xf32, #tpu.memory_space<vmem>>) dst(%dma_wait3A_118 : memref<64x64xf32, #tpu.memory_space<vmem_shared>>)
      tpu.yield
    }) : () -> ()
    "tpu.region"() ({
      %run_scoped3A_103 = tpu.sem_alloc : memref<!tpu.dma_semaphore, #tpu.memory_space<semaphore_mem>>
      %dma_start3A = arith.constant 0 : i32
      %dma_start3A_104 = arith.constant 0 : i32
      %dma_start3A_105 = tpu.memref_slice %arg14[%dma_start3A, %dma_start3A_104] : memref<128x16xf32, #tpu.memory_space<vmem>> -> memref<64x16xf32, #tpu.memory_space<vmem>>
      %dma_start3A_106 = arith.constant 0 : i32
      %dma_start3A_107 = tpu.memref_slice %arg16[%add3A_73, %dma_start3A_106] : memref<5120x16xf32, #tpu.memory_space<vmem_shared>> -> memref<64x16xf32, #tpu.memory_space<vmem_shared>>
      %dma_start3A_108 = arith.constant 0 : i32
      %dma_start3A_109 = tpu.memref_slice %arg16[%add3A_73, %dma_start3A_108] : memref<5120x16xf32, #tpu.memory_space<vmem_shared>> -> memref<64x16xf32, #tpu.memory_space<vmem_shared>>
      %dma_start3A_110 = arith.constant 0 : i32
      %dma_start3A_111 = arith.constant 0 : i32
      %dma_start3A_112 = tpu.memref_slice %arg14[%dma_start3A_110, %dma_start3A_111] : memref<128x16xf32, #tpu.memory_space<vmem>> -> memref<64x16xf32, #tpu.memory_space<vmem>>
      tpu.enqueue_dma source(%dma_start3A_112 : memref<64x16xf32, #tpu.memory_space<vmem>>) target(%dma_start3A_109 : memref<64x16xf32, #tpu.memory_space<vmem_shared>>) target_semaphore(%run_scoped3A_103 : memref<!tpu.dma_semaphore, #tpu.memory_space<semaphore_mem>>)
      %dma_wait3A = arith.constant 0 : i32
      %dma_wait3A_113 = arith.constant 0 : i32
      %dma_wait3A_114 = tpu.memref_slice %arg14[%dma_wait3A, %dma_wait3A_113] : memref<128x16xf32, #tpu.memory_space<vmem>> -> memref<64x16xf32, #tpu.memory_space<vmem>>
      %dma_wait3A_115 = arith.constant 0 : i32
      %dma_wait3A_116 = tpu.memref_slice %arg16[%add3A_73, %dma_wait3A_115] : memref<5120x16xf32, #tpu.memory_space<vmem_shared>> -> memref<64x16xf32, #tpu.memory_space<vmem_shared>>
      %dma_wait3A_117 = arith.constant 0 : i32
      %dma_wait3A_118 = tpu.memref_slice %arg16[%add3A_73, %dma_wait3A_117] : memref<5120x16xf32, #tpu.memory_space<vmem_shared>> -> memref<64x16xf32, #tpu.memory_space<vmem_shared>>
      %dma_wait3A_119 = arith.constant 0 : i32
      %dma_wait3A_120 = arith.constant 0 : i32
      %dma_wait3A_121 = tpu.memref_slice %arg14[%dma_wait3A_119, %dma_wait3A_120] : memref<128x16xf32, #tpu.memory_space<vmem>> -> memref<64x16xf32, #tpu.memory_space<vmem>>
      tpu.wait_dma2 semaphore(%run_scoped3A_103 : memref<!tpu.dma_semaphore, #tpu.memory_space<semaphore_mem>>) src(%dma_wait3A_121 : memref<64x16xf32, #tpu.memory_space<vmem>>) dst(%dma_wait3A_118 : memref<64x16xf32, #tpu.memory_space<vmem_shared>>)
      tpu.yield
    }) : () -> ()
    %scan3A_74 = arith.constant 0 : i32
    %scan3A_75 = arith.constant 0 : i32
    %scan3A_76 = arith.constant 128 : i32
    %scan3A_77 = arith.addi %scan3A_75, %scan3A_76 : i32
    %scan3A_78 = arith.constant 1 : i32
    scf.for %scan3A_103 = %scan3A_75 to %scan3A_77 step %scan3A_78  : i32 {
      %swap3A = arith.index_cast %scan3A_103 : i32 to index
      %swap3A_104 = arith.constant 0 : index
      %swap3A_105 = tpu.vector_load %arg14[%swap3A, %swap3A_104] {strides = array<i32>} : memref<128x16xf32, #tpu.memory_space<vmem>>, vector<1x16xf32>,
      %swap3A_106 = vector.shape_cast %swap3A_105 : vector<1x16xf32> to vector<16xf32>
      %swap3A_107 = vector.shape_cast %select_n3A : vector<16xf32> to vector<1x16xf32>
      tpu.vector_store %arg14[%swap3A, %swap3A_104], %swap3A_107 {strides = array<i32>} : memref<128x16xf32, #tpu.memory_space<vmem>>, vector<1x16xf32>,
    }
    %scan3A_79 = arith.constant 128 : i32
    %add3A_80 = arith.constant 5000 : i32
    %add3A_81 = arith.addi %mul3A_12, %add3A_80 : i32
    %scan3A_82 = arith.constant 0 : i32
    %scan3A_83 = arith.constant 0 : i32
    %scan3A_84 = arith.constant 160 : i32
    %scan3A_85 = arith.addi %scan3A_83, %scan3A_84 : i32
    %scan3A_86 = arith.constant 1 : i32
    scf.for %scan3A_103 = %scan3A_83 to %scan3A_85 step %scan3A_86  : i32 {
      %get3A = arith.index_cast %scan3A_103 : i32 to index
      %get3A_104 = arith.constant 0 : index
      %get3A_105 = tpu.vector_load %arg9[%get3A, %get3A_104] {strides = array<i32>} : memref<160x128xi32, #tpu.memory_space<vmem>>, vector<1x16xi32>,
      %get3A_106 = vector.shape_cast %get3A_105 : vector<1x16xi32> to vector<16xi32>
      %sub3A = vector.broadcast %add3A_81 : i32 to vector<16xi32>
      %sub3A_107 = arith.subi %get3A_106, %sub3A : vector<16xi32>
      %ge3A = arith.constant 0 : i32
      %ge3A_108 = vector.broadcast %ge3A : i32 to vector<16xi32>
      %ge3A_109 = arith.cmpi sge, %sub3A_107, %ge3A_108 : vector<16xi32>
      %lt3A = arith.constant 5000 : i32
      %lt3A_110 = vector.broadcast %lt3A : i32 to vector<16xi32>
      %lt3A_111 = arith.cmpi slt, %sub3A_107, %lt3A_110 : vector<16xi32>
      %and3A = arith.andi %ge3A_109, %lt3A_111 : vector<16xi1>
      %jit3A_112 = arith.constant 5000 : i32
      %broadcast_in_dim3A_113 = vector.broadcast %jit3A_112 : i32 to vector<16xi32>
      %select_n3A_114 = arith.select %and3A, %sub3A_107, %broadcast_in_dim3A_113 : vector<16xi1>, vector<16xi32>
      %swap3A = arith.index_cast %scan3A_103 : i32 to index
      %swap3A_115 = arith.constant 0 : index
      %swap3A_116 = tpu.vector_load %arg10[%swap3A, %swap3A_115] {strides = array<i32>} : memref<160x128xi32, #tpu.memory_space<vmem>>, vector<1x16xi32>,
      %swap3A_117 = vector.shape_cast %swap3A_116 : vector<1x16xi32> to vector<16xi32>
      %swap3A_118 = vector.shape_cast %select_n3A_114 : vector<16xi32> to vector<1x16xi32>
      tpu.vector_store %arg10[%swap3A, %swap3A_115], %swap3A_118 {strides = array<i32>} : memref<160x128xi32, #tpu.memory_space<vmem>>, vector<1x16xi32>,
      %get3A_119 = arith.index_cast %scan3A_103 : i32 to index
      %get3A_120 = arith.constant 16 : index
      %get3A_121 = tpu.vector_load %arg9[%get3A_119, %get3A_120] {strides = array<i32>} : memref<160x128xi32, #tpu.memory_space<vmem>>, vector<1x16xi32>,
      %get3A_122 = vector.shape_cast %get3A_121 : vector<1x16xi32> to vector<16xi32>
      %sub3A_123 = vector.broadcast %add3A_81 : i32 to vector<16xi32>
      %sub3A_124 = arith.subi %get3A_122, %sub3A_123 : vector<16xi32>
      %ge3A_125 = arith.constant 0 : i32
      %ge3A_126 = vector.broadcast %ge3A_125 : i32 to vector<16xi32>
      %ge3A_127 = arith.cmpi sge, %sub3A_124, %ge3A_126 : vector<16xi32>
      %lt3A_128 = arith.constant 5000 : i32
      %lt3A_129 = vector.broadcast %lt3A_128 : i32 to vector<16xi32>
      %lt3A_130 = arith.cmpi slt, %sub3A_124, %lt3A_129 : vector<16xi32>
      %and3A_131 = arith.andi %ge3A_127, %lt3A_130 : vector<16xi1>
      %jit3A_132 = arith.constant 5000 : i32
      %broadcast_in_dim3A_133 = vector.broadcast %jit3A_132 : i32 to vector<16xi32>
      %select_n3A_134 = arith.select %and3A_131, %sub3A_124, %broadcast_in_dim3A_133 : vector<16xi1>, vector<16xi32>
      %swap3A_135 = arith.index_cast %scan3A_103 : i32 to index
      %swap3A_136 = arith.constant 16 : index
      %swap3A_137 = tpu.vector_load %arg10[%swap3A_135, %swap3A_136] {strides = array<i32>} : memref<160x128xi32, #tpu.memory_space<vmem>>, vector<1x16xi32>,
      %swap3A_138 = vector.shape_cast %swap3A_137 : vector<1x16xi32> to vector<16xi32>
      %swap3A_139 = vector.shape_cast %select_n3A_134 : vector<16xi32> to vector<1x16xi32>
      tpu.vector_store %arg10[%swap3A_135, %swap3A_136], %swap3A_139 {strides = array<i32>} : memref<160x128xi32, #tpu.memory_space<vmem>>, vector<1x16xi32>,
      %get3A_140 = arith.index_cast %scan3A_103 : i32 to index
      %get3A_141 = arith.constant 32 : index
      %get3A_142 = tpu.vector_load %arg9[%get3A_140, %get3A_141] {strides = array<i32>} : memref<160x128xi32, #tpu.memory_space<vmem>>, vector<1x16xi32>,
      %get3A_143 = vector.shape_cast %get3A_142 : vector<1x16xi32> to vector<16xi32>
      %sub3A_144 = vector.broadcast %add3A_81 : i32 to vector<16xi32>
      %sub3A_145 = arith.subi %get3A_143, %sub3A_144 : vector<16xi32>
      %ge3A_146 = arith.constant 0 : i32
      %ge3A_147 = vector.broadcast %ge3A_146 : i32 to vector<16xi32>
      %ge3A_148 = arith.cmpi sge, %sub3A_145, %ge3A_147 : vector<16xi32>
      %lt3A_149 = arith.constant 5000 : i32
      %lt3A_150 = vector.broadcast %lt3A_149 : i32 to vector<16xi32>
      %lt3A_151 = arith.cmpi slt, %sub3A_145, %lt3A_150 : vector<16xi32>
      %and3A_152 = arith.andi %ge3A_148, %lt3A_151 : vector<16xi1>
      %jit3A_153 = arith.constant 5000 : i32
      %broadcast_in_dim3A_154 = vector.broadcast %jit3A_153 : i32 to vector<16xi32>
      %select_n3A_155 = arith.select %and3A_152, %sub3A_145, %broadcast_in_dim3A_154 : vector<16xi1>, vector<16xi32>
      %swap3A_156 = arith.index_cast %scan3A_103 : i32 to index
      %swap3A_157 = arith.constant 32 : index
      %swap3A_158 = tpu.vector_load %arg10[%swap3A_156, %swap3A_157] {strides = array<i32>} : memref<160x128xi32, #tpu.memory_space<vmem>>, vector<1x16xi32>,
      %swap3A_159 = vector.shape_cast %swap3A_158 : vector<1x16xi32> to vector<16xi32>
      %swap3A_160 = vector.shape_cast %select_n3A_155 : vector<16xi32> to vector<1x16xi32>
      tpu.vector_store %arg10[%swap3A_156, %swap3A_157], %swap3A_160 {strides = array<i32>} : memref<160x128xi32, #tpu.memory_space<vmem>>, vector<1x16xi32>,
      %get3A_161 = arith.index_cast %scan3A_103 : i32 to index
      %get3A_162 = arith.constant 48 : index
      %get3A_163 = tpu.vector_load %arg9[%get3A_161, %get3A_162] {strides = array<i32>} : memref<160x128xi32, #tpu.memory_space<vmem>>, vector<1x16xi32>,
      %get3A_164 = vector.shape_cast %get3A_163 : vector<1x16xi32> to vector<16xi32>
      %sub3A_165 = vector.broadcast %add3A_81 : i32 to vector<16xi32>
      %sub3A_166 = arith.subi %get3A_164, %sub3A_165 : vector<16xi32>
      %ge3A_167 = arith.constant 0 : i32
      %ge3A_168 = vector.broadcast %ge3A_167 : i32 to vector<16xi32>
      %ge3A_169 = arith.cmpi sge, %sub3A_166, %ge3A_168 : vector<16xi32>
      %lt3A_170 = arith.constant 5000 : i32
      %lt3A_171 = vector.broadcast %lt3A_170 : i32 to vector<16xi32>
      %lt3A_172 = arith.cmpi slt, %sub3A_166, %lt3A_171 : vector<16xi32>
      %and3A_173 = arith.andi %ge3A_169, %lt3A_172 : vector<16xi1>
      %jit3A_174 = arith.constant 5000 : i32
      %broadcast_in_dim3A_175 = vector.broadcast %jit3A_174 : i32 to vector<16xi32>
      %select_n3A_176 = arith.select %and3A_173, %sub3A_166, %broadcast_in_dim3A_175 : vector<16xi1>, vector<16xi32>
      %swap3A_177 = arith.index_cast %scan3A_103 : i32 to index
      %swap3A_178 = arith.constant 48 : index
      %swap3A_179 = tpu.vector_load %arg10[%swap3A_177, %swap3A_178] {strides = array<i32>} : memref<160x128xi32, #tpu.memory_space<vmem>>, vector<1x16xi32>,
      %swap3A_180 = vector.shape_cast %swap3A_179 : vector<1x16xi32> to vector<16xi32>
      %swap3A_181 = vector.shape_cast %select_n3A_176 : vector<16xi32> to vector<1x16xi32>
      tpu.vector_store %arg10[%swap3A_177, %swap3A_178], %swap3A_181 {strides = array<i32>} : memref<160x128xi32, #tpu.memory_space<vmem>>, vector<1x16xi32>,
      %get3A_182 = arith.index_cast %scan3A_103 : i32 to index
      %get3A_183 = arith.constant 64 : index
      %get3A_184 = tpu.vector_load %arg9[%get3A_182, %get3A_183] {strides = array<i32>} : memref<160x128xi32, #tpu.memory_space<vmem>>, vector<1x16xi32>,
      %get3A_185 = vector.shape_cast %get3A_184 : vector<1x16xi32> to vector<16xi32>
      %sub3A_186 = vector.broadcast %add3A_81 : i32 to vector<16xi32>
      %sub3A_187 = arith.subi %get3A_185, %sub3A_186 : vector<16xi32>
      %ge3A_188 = arith.constant 0 : i32
      %ge3A_189 = vector.broadcast %ge3A_188 : i32 to vector<16xi32>
      %ge3A_190 = arith.cmpi sge, %sub3A_187, %ge3A_189 : vector<16xi32>
      %lt3A_191 = arith.constant 5000 : i32
      %lt3A_192 = vector.broadcast %lt3A_191 : i32 to vector<16xi32>
      %lt3A_193 = arith.cmpi slt, %sub3A_187, %lt3A_192 : vector<16xi32>
      %and3A_194 = arith.andi %ge3A_190, %lt3A_193 : vector<16xi1>
      %jit3A_195 = arith.constant 5000 : i32
      %broadcast_in_dim3A_196 = vector.broadcast %jit3A_195 : i32 to vector<16xi32>
      %select_n3A_197 = arith.select %and3A_194, %sub3A_187, %broadcast_in_dim3A_196 : vector<16xi1>, vector<16xi32>
      %swap3A_198 = arith.index_cast %scan3A_103 : i32 to index
      %swap3A_199 = arith.constant 64 : index
      %swap3A_200 = tpu.vector_load %arg10[%swap3A_198, %swap3A_199] {strides = array<i32>} : memref<160x128xi32, #tpu.memory_space<vmem>>, vector<1x16xi32>,
      %swap3A_201 = vector.shape_cast %swap3A_200 : vector<1x16xi32> to vector<16xi32>
      %swap3A_202 = vector.shape_cast %select_n3A_197 : vector<16xi32> to vector<1x16xi32>
      tpu.vector_store %arg10[%swap3A_198, %swap3A_199], %swap3A_202 {strides = array<i32>} : memref<160x128xi32, #tpu.memory_space<vmem>>, vector<1x16xi32>,
      %get3A_203 = arith.index_cast %scan3A_103 : i32 to index
      %get3A_204 = arith.constant 80 : index
      %get3A_205 = tpu.vector_load %arg9[%get3A_203, %get3A_204] {strides = array<i32>} : memref<160x128xi32, #tpu.memory_space<vmem>>, vector<1x16xi32>,
      %get3A_206 = vector.shape_cast %get3A_205 : vector<1x16xi32> to vector<16xi32>
      %sub3A_207 = vector.broadcast %add3A_81 : i32 to vector<16xi32>
      %sub3A_208 = arith.subi %get3A_206, %sub3A_207 : vector<16xi32>
      %ge3A_209 = arith.constant 0 : i32
      %ge3A_210 = vector.broadcast %ge3A_209 : i32 to vector<16xi32>
      %ge3A_211 = arith.cmpi sge, %sub3A_208, %ge3A_210 : vector<16xi32>
      %lt3A_212 = arith.constant 5000 : i32
      %lt3A_213 = vector.broadcast %lt3A_212 : i32 to vector<16xi32>
      %lt3A_214 = arith.cmpi slt, %sub3A_208, %lt3A_213 : vector<16xi32>
      %and3A_215 = arith.andi %ge3A_211, %lt3A_214 : vector<16xi1>
      %jit3A_216 = arith.constant 5000 : i32
      %broadcast_in_dim3A_217 = vector.broadcast %jit3A_216 : i32 to vector<16xi32>
      %select_n3A_218 = arith.select %and3A_215, %sub3A_208, %broadcast_in_dim3A_217 : vector<16xi1>, vector<16xi32>
      %swap3A_219 = arith.index_cast %scan3A_103 : i32 to index
      %swap3A_220 = arith.constant 80 : index
      %swap3A_221 = tpu.vector_load %arg10[%swap3A_219, %swap3A_220] {strides = array<i32>} : memref<160x128xi32, #tpu.memory_space<vmem>>, vector<1x16xi32>,
      %swap3A_222 = vector.shape_cast %swap3A_221 : vector<1x16xi32> to vector<16xi32>
      %swap3A_223 = vector.shape_cast %select_n3A_218 : vector<16xi32> to vector<1x16xi32>
      tpu.vector_store %arg10[%swap3A_219, %swap3A_220], %swap3A_223 {strides = array<i32>} : memref<160x128xi32, #tpu.memory_space<vmem>>, vector<1x16xi32>,
      %get3A_224 = arith.index_cast %scan3A_103 : i32 to index
      %get3A_225 = arith.constant 96 : index
      %get3A_226 = tpu.vector_load %arg9[%get3A_224, %get3A_225] {strides = array<i32>} : memref<160x128xi32, #tpu.memory_space<vmem>>, vector<1x16xi32>,
      %get3A_227 = vector.shape_cast %get3A_226 : vector<1x16xi32> to vector<16xi32>
      %sub3A_228 = vector.broadcast %add3A_81 : i32 to vector<16xi32>
      %sub3A_229 = arith.subi %get3A_227, %sub3A_228 : vector<16xi32>
      %ge3A_230 = arith.constant 0 : i32
      %ge3A_231 = vector.broadcast %ge3A_230 : i32 to vector<16xi32>
      %ge3A_232 = arith.cmpi sge, %sub3A_229, %ge3A_231 : vector<16xi32>
      %lt3A_233 = arith.constant 5000 : i32
      %lt3A_234 = vector.broadcast %lt3A_233 : i32 to vector<16xi32>
      %lt3A_235 = arith.cmpi slt, %sub3A_229, %lt3A_234 : vector<16xi32>
      %and3A_236 = arith.andi %ge3A_232, %lt3A_235 : vector<16xi1>
      %jit3A_237 = arith.constant 5000 : i32
      %broadcast_in_dim3A_238 = vector.broadcast %jit3A_237 : i32 to vector<16xi32>
      %select_n3A_239 = arith.select %and3A_236, %sub3A_229, %broadcast_in_dim3A_238 : vector<16xi1>, vector<16xi32>
      %swap3A_240 = arith.index_cast %scan3A_103 : i32 to index
      %swap3A_241 = arith.constant 96 : index
      %swap3A_242 = tpu.vector_load %arg10[%swap3A_240, %swap3A_241] {strides = array<i32>} : memref<160x128xi32, #tpu.memory_space<vmem>>, vector<1x16xi32>,
      %swap3A_243 = vector.shape_cast %swap3A_242 : vector<1x16xi32> to vector<16xi32>
      %swap3A_244 = vector.shape_cast %select_n3A_239 : vector<16xi32> to vector<1x16xi32>
      tpu.vector_store %arg10[%swap3A_240, %swap3A_241], %swap3A_244 {strides = array<i32>} : memref<160x128xi32, #tpu.memory_space<vmem>>, vector<1x16xi32>,
      %get3A_245 = arith.index_cast %scan3A_103 : i32 to index
      %get3A_246 = arith.constant 112 : index
      %get3A_247 = tpu.vector_load %arg9[%get3A_245, %get3A_246] {strides = array<i32>} : memref<160x128xi32, #tpu.memory_space<vmem>>, vector<1x16xi32>,
      %get3A_248 = vector.shape_cast %get3A_247 : vector<1x16xi32> to vector<16xi32>
      %sub3A_249 = vector.broadcast %add3A_81 : i32 to vector<16xi32>
      %sub3A_250 = arith.subi %get3A_248, %sub3A_249 : vector<16xi32>
      %ge3A_251 = arith.constant 0 : i32
      %ge3A_252 = vector.broadcast %ge3A_251 : i32 to vector<16xi32>
      %ge3A_253 = arith.cmpi sge, %sub3A_250, %ge3A_252 : vector<16xi32>
      %lt3A_254 = arith.constant 5000 : i32
      %lt3A_255 = vector.broadcast %lt3A_254 : i32 to vector<16xi32>
      %lt3A_256 = arith.cmpi slt, %sub3A_250, %lt3A_255 : vector<16xi32>
      %and3A_257 = arith.andi %ge3A_253, %lt3A_256 : vector<16xi1>
      %jit3A_258 = arith.constant 5000 : i32
      %broadcast_in_dim3A_259 = vector.broadcast %jit3A_258 : i32 to vector<16xi32>
      %select_n3A_260 = arith.select %and3A_257, %sub3A_250, %broadcast_in_dim3A_259 : vector<16xi1>, vector<16xi32>
      %swap3A_261 = arith.index_cast %scan3A_103 : i32 to index
      %swap3A_262 = arith.constant 112 : index
      %swap3A_263 = tpu.vector_load %arg10[%swap3A_261, %swap3A_262] {strides = array<i32>} : memref<160x128xi32, #tpu.memory_space<vmem>>, vector<1x16xi32>,
      %swap3A_264 = vector.shape_cast %swap3A_263 : vector<1x16xi32> to vector<16xi32>
      %swap3A_265 = vector.shape_cast %select_n3A_260 : vector<16xi32> to vector<1x16xi32>
      tpu.vector_store %arg10[%swap3A_261, %swap3A_262], %swap3A_265 {strides = array<i32>} : memref<160x128xi32, #tpu.memory_space<vmem>>, vector<1x16xi32>,
    }
    %scan3A_87 = arith.constant 160 : i32
    %barrier3A_88 = arith.constant 0 : index
    tpu.barrier barrier_id(%barrier3A_88)
    %scan3A_89 = arith.constant 0 : i32
    %scan3A_90 = arith.constant 0 : i32
    %scan3A_91 = arith.constant 160 : i32
    %scan3A_92 = arith.addi %scan3A_90, %scan3A_91 : i32
    %scan3A_93 = arith.constant 1 : i32
    scf.for %scan3A_103 = %scan3A_90 to %scan3A_92 step %scan3A_93  : i32 {
      %dma_start3A = arith.constant 0 : i32
      %dma_start3A_104 = tpu.memref_slice %arg8[%scan3A_103, %dma_start3A] : memref<160x128xi32, #tpu.memory_space<vmem>> -> memref<1x128xi32, #tpu.memory_space<vmem>>
      %dma_start3A_105 = tpu.memref_squeeze %dma_start3A_104 : memref<1x128xi32, #tpu.memory_space<vmem>> -> memref<128xi32, #tpu.memory_space<vmem>>
      %dma_start3A_106 = arith.constant 0 : i32
      %dma_start3A_107 = arith.constant 0 : i32
      %dma_start3A_108 = tpu.memref_slice %arg2[%dma_start3A_106, %dma_start3A_107] : memref<20480x64xf32, #tpu.memory_space<hbm>> -> memref<20480x64xf32, #tpu.memory_space<hbm>>
      tpu.enqueue_indirect_dma source(%dma_start3A_108 : memref<20480x64xf32, #tpu.memory_space<hbm>>) target(%arg11 : memref<128x64xf32, #tpu.memory_space<vmem>>) offsets(%dma_start3A_105 : memref<128xi32, #tpu.memory_space<vmem>>) semaphore(%arg17 : memref<!tpu.dma_semaphore, #tpu.memory_space<semaphore_mem>>)
      %dma_wait3A = arith.constant 0 : i32
      %dma_wait3A_109 = tpu.memref_slice %arg8[%scan3A_103, %dma_wait3A] : memref<160x128xi32, #tpu.memory_space<vmem>> -> memref<1x128xi32, #tpu.memory_space<vmem>>
      %dma_wait3A_110 = tpu.memref_squeeze %dma_wait3A_109 : memref<1x128xi32, #tpu.memory_space<vmem>> -> memref<128xi32, #tpu.memory_space<vmem>>
      %dma_wait3A_111 = arith.constant 0 : i32
      %dma_wait3A_112 = arith.constant 0 : i32
      %dma_wait3A_113 = tpu.memref_slice %arg2[%dma_wait3A_111, %dma_wait3A_112] : memref<20480x64xf32, #tpu.memory_space<hbm>> -> memref<20480x64xf32, #tpu.memory_space<hbm>>
      tpu.wait_indirect_dma semaphore(%arg17 : memref<!tpu.dma_semaphore, #tpu.memory_space<semaphore_mem>>) src(%dma_wait3A_113 : memref<20480x64xf32, #tpu.memory_space<hbm>>) dst(%arg11 : memref<128x64xf32, #tpu.memory_space<vmem>>)
      %dma_start3A_114 = arith.constant 0 : i32
      %dma_start3A_115 = tpu.memref_slice %arg9[%scan3A_103, %dma_start3A_114] : memref<160x128xi32, #tpu.memory_space<vmem>> -> memref<1x128xi32, #tpu.memory_space<vmem>>
      %dma_start3A_116 = tpu.memref_squeeze %dma_start3A_115 : memref<1x128xi32, #tpu.memory_space<vmem>> -> memref<128xi32, #tpu.memory_space<vmem>>
      %dma_start3A_117 = arith.constant 0 : i32
      %dma_start3A_118 = arith.constant 0 : i32
      %dma_start3A_119 = tpu.memref_slice %arg3[%dma_start3A_117, %dma_start3A_118] : memref<20480x64xf32, #tpu.memory_space<hbm>> -> memref<20480x64xf32, #tpu.memory_space<hbm>>
      tpu.enqueue_indirect_dma source(%dma_start3A_119 : memref<20480x64xf32, #tpu.memory_space<hbm>>) target(%arg12 : memref<128x64xf32, #tpu.memory_space<vmem>>) offsets(%dma_start3A_116 : memref<128xi32, #tpu.memory_space<vmem>>) semaphore(%arg17 : memref<!tpu.dma_semaphore, #tpu.memory_space<semaphore_mem>>)
      %dma_wait3A_120 = arith.constant 0 : i32
      %dma_wait3A_121 = tpu.memref_slice %arg9[%scan3A_103, %dma_wait3A_120] : memref<160x128xi32, #tpu.memory_space<vmem>> -> memref<1x128xi32, #tpu.memory_space<vmem>>
      %dma_wait3A_122 = tpu.memref_squeeze %dma_wait3A_121 : memref<1x128xi32, #tpu.memory_space<vmem>> -> memref<128xi32, #tpu.memory_space<vmem>>
      %dma_wait3A_123 = arith.constant 0 : i32
      %dma_wait3A_124 = arith.constant 0 : i32
      %dma_wait3A_125 = tpu.memref_slice %arg3[%dma_wait3A_123, %dma_wait3A_124] : memref<20480x64xf32, #tpu.memory_space<hbm>> -> memref<20480x64xf32, #tpu.memory_space<hbm>>
      tpu.wait_indirect_dma semaphore(%arg17 : memref<!tpu.dma_semaphore, #tpu.memory_space<semaphore_mem>>) src(%dma_wait3A_125 : memref<20480x64xf32, #tpu.memory_space<hbm>>) dst(%arg12 : memref<128x64xf32, #tpu.memory_space<vmem>>)
      %scan3A_126 = arith.constant 0 : i32
      %scan3A_127 = arith.constant 0 : i32
      %scan3A_128 = arith.constant 128 : i32
      %scan3A_129 = arith.addi %scan3A_127, %scan3A_128 : i32
      %scan3A_130 = arith.constant 1 : i32
      scf.for %scan3A_137 = %scan3A_127 to %scan3A_129 step %scan3A_130  : i32 {
        %get3A = arith.index_cast %scan3A_137 : i32 to index
        %get3A_138 = arith.constant 0 : index
        %get3A_139 = tpu.vector_load %arg11[%get3A, %get3A_138] {strides = array<i32>} : memref<128x64xf32, #tpu.memory_space<vmem>>, vector<1x16xf32>,
        %get3A_140 = vector.shape_cast %get3A_139 : vector<1x16xf32> to vector<16xf32>
        %get3A_141 = arith.index_cast %scan3A_137 : i32 to index
        %get3A_142 = arith.constant 0 : index
        %get3A_143 = tpu.vector_load %arg12[%get3A_141, %get3A_142] {strides = array<i32>} : memref<128x64xf32, #tpu.memory_space<vmem>>, vector<1x16xf32>,
        %get3A_144 = vector.shape_cast %get3A_143 : vector<1x16xf32> to vector<16xf32>
        %add3A_145 = arith.addf %get3A_140, %get3A_144 : vector<16xf32>
        %max3A = arith.constant 0.000000e+00 : f32
        %max3A_146 = vector.broadcast %max3A : f32 to vector<16xf32>
        %max3A_147 = arith.maximumf %add3A_145, %max3A_146 : vector<16xf32>
        %swap3A = arith.index_cast %scan3A_137 : i32 to index
        %swap3A_148 = arith.constant 0 : index
        %swap3A_149 = tpu.vector_load %arg13[%swap3A, %swap3A_148] {strides = array<i32>} : memref<128x64xf32, #tpu.memory_space<vmem>>, vector<1x16xf32>,
        %swap3A_150 = vector.shape_cast %swap3A_149 : vector<1x16xf32> to vector<16xf32>
        %swap3A_151 = vector.shape_cast %max3A_147 : vector<16xf32> to vector<1x16xf32>
        tpu.vector_store %arg13[%swap3A, %swap3A_148], %swap3A_151 {strides = array<i32>} : memref<128x64xf32, #tpu.memory_space<vmem>>, vector<1x16xf32>,
        %get3A_152 = arith.index_cast %scan3A_137 : i32 to index
        %get3A_153 = arith.constant 16 : index
        %get3A_154 = tpu.vector_load %arg11[%get3A_152, %get3A_153] {strides = array<i32>} : memref<128x64xf32, #tpu.memory_space<vmem>>, vector<1x16xf32>,
        %get3A_155 = vector.shape_cast %get3A_154 : vector<1x16xf32> to vector<16xf32>
        %get3A_156 = arith.index_cast %scan3A_137 : i32 to index
        %get3A_157 = arith.constant 16 : index
        %get3A_158 = tpu.vector_load %arg12[%get3A_156, %get3A_157] {strides = array<i32>} : memref<128x64xf32, #tpu.memory_space<vmem>>, vector<1x16xf32>,
        %get3A_159 = vector.shape_cast %get3A_158 : vector<1x16xf32> to vector<16xf32>
        %add3A_160 = arith.addf %get3A_155, %get3A_159 : vector<16xf32>
        %max3A_161 = arith.constant 0.000000e+00 : f32
        %max3A_162 = vector.broadcast %max3A_161 : f32 to vector<16xf32>
        %max3A_163 = arith.maximumf %add3A_160, %max3A_162 : vector<16xf32>
        %swap3A_164 = arith.index_cast %scan3A_137 : i32 to index
        %swap3A_165 = arith.constant 16 : index
        %swap3A_166 = tpu.vector_load %arg13[%swap3A_164, %swap3A_165] {strides = array<i32>} : memref<128x64xf32, #tpu.memory_space<vmem>>, vector<1x16xf32>,
        %swap3A_167 = vector.shape_cast %swap3A_166 : vector<1x16xf32> to vector<16xf32>
        %swap3A_168 = vector.shape_cast %max3A_163 : vector<16xf32> to vector<1x16xf32>
        tpu.vector_store %arg13[%swap3A_164, %swap3A_165], %swap3A_168 {strides = array<i32>} : memref<128x64xf32, #tpu.memory_space<vmem>>, vector<1x16xf32>,
        %get3A_169 = arith.index_cast %scan3A_137 : i32 to index
        %get3A_170 = arith.constant 32 : index
        %get3A_171 = tpu.vector_load %arg11[%get3A_169, %get3A_170] {strides = array<i32>} : memref<128x64xf32, #tpu.memory_space<vmem>>, vector<1x16xf32>,
        %get3A_172 = vector.shape_cast %get3A_171 : vector<1x16xf32> to vector<16xf32>
        %get3A_173 = arith.index_cast %scan3A_137 : i32 to index
        %get3A_174 = arith.constant 32 : index
        %get3A_175 = tpu.vector_load %arg12[%get3A_173, %get3A_174] {strides = array<i32>} : memref<128x64xf32, #tpu.memory_space<vmem>>, vector<1x16xf32>,
        %get3A_176 = vector.shape_cast %get3A_175 : vector<1x16xf32> to vector<16xf32>
        %add3A_177 = arith.addf %get3A_172, %get3A_176 : vector<16xf32>
        %max3A_178 = arith.constant 0.000000e+00 : f32
        %max3A_179 = vector.broadcast %max3A_178 : f32 to vector<16xf32>
        %max3A_180 = arith.maximumf %add3A_177, %max3A_179 : vector<16xf32>
        %swap3A_181 = arith.index_cast %scan3A_137 : i32 to index
        %swap3A_182 = arith.constant 32 : index
        %swap3A_183 = tpu.vector_load %arg13[%swap3A_181, %swap3A_182] {strides = array<i32>} : memref<128x64xf32, #tpu.memory_space<vmem>>, vector<1x16xf32>,
        %swap3A_184 = vector.shape_cast %swap3A_183 : vector<1x16xf32> to vector<16xf32>
        %swap3A_185 = vector.shape_cast %max3A_180 : vector<16xf32> to vector<1x16xf32>
        tpu.vector_store %arg13[%swap3A_181, %swap3A_182], %swap3A_185 {strides = array<i32>} : memref<128x64xf32, #tpu.memory_space<vmem>>, vector<1x16xf32>,
        %get3A_186 = arith.index_cast %scan3A_137 : i32 to index
        %get3A_187 = arith.constant 48 : index
        %get3A_188 = tpu.vector_load %arg11[%get3A_186, %get3A_187] {strides = array<i32>} : memref<128x64xf32, #tpu.memory_space<vmem>>, vector<1x16xf32>,
        %get3A_189 = vector.shape_cast %get3A_188 : vector<1x16xf32> to vector<16xf32>
        %get3A_190 = arith.index_cast %scan3A_137 : i32 to index
        %get3A_191 = arith.constant 48 : index
        %get3A_192 = tpu.vector_load %arg12[%get3A_190, %get3A_191] {strides = array<i32>} : memref<128x64xf32, #tpu.memory_space<vmem>>, vector<1x16xf32>,
        %get3A_193 = vector.shape_cast %get3A_192 : vector<1x16xf32> to vector<16xf32>
        %add3A_194 = arith.addf %get3A_189, %get3A_193 : vector<16xf32>
        %max3A_195 = arith.constant 0.000000e+00 : f32
        %max3A_196 = vector.broadcast %max3A_195 : f32 to vector<16xf32>
        %max3A_197 = arith.maximumf %add3A_194, %max3A_196 : vector<16xf32>
        %swap3A_198 = arith.index_cast %scan3A_137 : i32 to index
        %swap3A_199 = arith.constant 48 : index
        %swap3A_200 = tpu.vector_load %arg13[%swap3A_198, %swap3A_199] {strides = array<i32>} : memref<128x64xf32, #tpu.memory_space<vmem>>, vector<1x16xf32>,
        %swap3A_201 = vector.shape_cast %swap3A_200 : vector<1x16xf32> to vector<16xf32>
        %swap3A_202 = vector.shape_cast %max3A_197 : vector<16xf32> to vector<1x16xf32>
        tpu.vector_store %arg13[%swap3A_198, %swap3A_199], %swap3A_202 {strides = array<i32>} : memref<128x64xf32, #tpu.memory_space<vmem>>, vector<1x16xf32>,
      }
      %scan3A_131 = arith.constant 128 : i32
      "tpu.region"() ({
        %run_scoped3A_137 = tpu.sem_alloc : memref<!tpu.dma_semaphore, #tpu.memory_space<semaphore_mem>>
        %dma_start3A_138 = arith.constant 0 : i32
        %dma_start3A_139 = tpu.memref_slice %arg10[%scan3A_103, %dma_start3A_138] : memref<160x128xi32, #tpu.memory_space<vmem>> -> memref<1x128xi32, #tpu.memory_space<vmem>>
        %dma_start3A_140 = tpu.memref_squeeze %dma_start3A_139 : memref<1x128xi32, #tpu.memory_space<vmem>> -> memref<128xi32, #tpu.memory_space<vmem>>
        %dma_start3A_141 = arith.constant 0 : i32
        %dma_start3A_142 = arith.constant 0 : i32
        %dma_start3A_143 = tpu.memref_slice %arg15[%dma_start3A_141, %dma_start3A_142] : memref<5120x64xf32, #tpu.memory_space<vmem_shared>> -> memref<5120x64xf32, #tpu.memory_space<vmem_shared>>
        tpu.enqueue_indirect_dma source(%arg13 : memref<128x64xf32, #tpu.memory_space<vmem>>) target(%dma_start3A_143 : memref<5120x64xf32, #tpu.memory_space<vmem_shared>>) offsets(%dma_start3A_140 : memref<128xi32, #tpu.memory_space<vmem>>) semaphore(%run_scoped3A_137 : memref<!tpu.dma_semaphore, #tpu.memory_space<semaphore_mem>>) {add = true}
        %dma_wait3A_144 = arith.constant 0 : i32
        %dma_wait3A_145 = tpu.memref_slice %arg10[%scan3A_103, %dma_wait3A_144] : memref<160x128xi32, #tpu.memory_space<vmem>> -> memref<1x128xi32, #tpu.memory_space<vmem>>
        %dma_wait3A_146 = tpu.memref_squeeze %dma_wait3A_145 : memref<1x128xi32, #tpu.memory_space<vmem>> -> memref<128xi32, #tpu.memory_space<vmem>>
        %dma_wait3A_147 = arith.constant 0 : i32
        %dma_wait3A_148 = arith.constant 0 : i32
        %dma_wait3A_149 = tpu.memref_slice %arg15[%dma_wait3A_147, %dma_wait3A_148] : memref<5120x64xf32, #tpu.memory_space<vmem_shared>> -> memref<5120x64xf32, #tpu.memory_space<vmem_shared>>
        tpu.wait_indirect_dma semaphore(%run_scoped3A_137 : memref<!tpu.dma_semaphore, #tpu.memory_space<semaphore_mem>>) src(%arg13 : memref<128x64xf32, #tpu.memory_space<vmem>>) dst(%dma_wait3A_149 : memref<5120x64xf32, #tpu.memory_space<vmem_shared>>)
        tpu.yield
      }) : () -> ()
      %eq3A_132 = arith.constant 0 : i32
      %eq3A_133 = arith.cmpi eq, %arg0, %eq3A_132 : i32
      %convert_element_type3A_134 = arith.extui %eq3A_133 : i1 to i32
      %cond3A_135 = arith.constant 0 : i32
      %cond3A_136 = arith.cmpi ne, %convert_element_type3A_134, %cond3A_135 : i32
      scf.if %cond3A_136 {
        "tpu.region"() ({
          %run_scoped3A_137 = tpu.sem_alloc : memref<!tpu.dma_semaphore, #tpu.memory_space<semaphore_mem>>
          %dma_start3A_138 = arith.constant 0 : i32
          %dma_start3A_139 = tpu.memref_slice %arg10[%scan3A_103, %dma_start3A_138] : memref<160x128xi32, #tpu.memory_space<vmem>> -> memref<1x128xi32, #tpu.memory_space<vmem>>
          %dma_start3A_140 = tpu.memref_squeeze %dma_start3A_139 : memref<1x128xi32, #tpu.memory_space<vmem>> -> memref<128xi32, #tpu.memory_space<vmem>>
          %dma_start3A_141 = arith.constant 0 : i32
          %dma_start3A_142 = arith.constant 0 : i32
          %dma_start3A_143 = tpu.memref_slice %arg16[%dma_start3A_141, %dma_start3A_142] : memref<5120x16xf32, #tpu.memory_space<vmem_shared>> -> memref<5120x16xf32, #tpu.memory_space<vmem_shared>>
          tpu.enqueue_indirect_dma source(%arg14 : memref<128x16xf32, #tpu.memory_space<vmem>>) target(%dma_start3A_143 : memref<5120x16xf32, #tpu.memory_space<vmem_shared>>) offsets(%dma_start3A_140 : memref<128xi32, #tpu.memory_space<vmem>>) semaphore(%run_scoped3A_137 : memref<!tpu.dma_semaphore, #tpu.memory_space<semaphore_mem>>) {add = true}
          %dma_wait3A_144 = arith.constant 0 : i32
          %dma_wait3A_145 = tpu.memref_slice %arg10[%scan3A_103, %dma_wait3A_144] : memref<160x128xi32, #tpu.memory_space<vmem>> -> memref<1x128xi32, #tpu.memory_space<vmem>>
          %dma_wait3A_146 = tpu.memref_squeeze %dma_wait3A_145 : memref<1x128xi32, #tpu.memory_space<vmem>> -> memref<128xi32, #tpu.memory_space<vmem>>
          %dma_wait3A_147 = arith.constant 0 : i32
          %dma_wait3A_148 = arith.constant 0 : i32
          %dma_wait3A_149 = tpu.memref_slice %arg16[%dma_wait3A_147, %dma_wait3A_148] : memref<5120x16xf32, #tpu.memory_space<vmem_shared>> -> memref<5120x16xf32, #tpu.memory_space<vmem_shared>>
          tpu.wait_indirect_dma semaphore(%run_scoped3A_137 : memref<!tpu.dma_semaphore, #tpu.memory_space<semaphore_mem>>) src(%arg14 : memref<128x16xf32, #tpu.memory_space<vmem>>) dst(%dma_wait3A_149 : memref<5120x16xf32, #tpu.memory_space<vmem_shared>>)
          tpu.yield
        }) : () -> ()
      } else {
      }
    }
    %scan3A_94 = arith.constant 160 : i32
    %barrier3A_95 = arith.constant 0 : index
    tpu.barrier barrier_id(%barrier3A_95)
    %run_scoped3A_96 = arith.constant 1 : i32
    "tpu.region"() ({
      %run_scoped3A_103 = tpu.sem_alloc : memref<!tpu.dma_semaphore, #tpu.memory_space<semaphore_mem>>
      %dma_start3A = arith.constant 0 : i32
      %dma_start3A_104 = tpu.memref_slice %arg6[%arg0, %run_scoped3A_96, %mul3A_0, %dma_start3A] : memref<2x2x5120x64xf32, #tpu.memory_space<hbm>> -> memref<1x1x320x64xf32, #tpu.memory_space<hbm>>
      %dma_start3A_105 = tpu.memref_squeeze %dma_start3A_104 : memref<1x1x320x64xf32, #tpu.memory_space<hbm>> -> memref<320x64xf32, #tpu.memory_space<hbm>>
      %dma_start3A_106 = arith.constant 0 : i32
      %dma_start3A_107 = tpu.memref_slice %arg15[%mul3A_0, %dma_start3A_106] : memref<5120x64xf32, #tpu.memory_space<vmem_shared>> -> memref<320x64xf32, #tpu.memory_space<vmem_shared>>
      tpu.enqueue_dma source(%dma_start3A_107 : memref<320x64xf32, #tpu.memory_space<vmem_shared>>) target(%dma_start3A_105 : memref<320x64xf32, #tpu.memory_space<hbm>>) target_semaphore(%run_scoped3A_103 : memref<!tpu.dma_semaphore, #tpu.memory_space<semaphore_mem>>)
      %dma_wait3A = arith.constant 0 : i32
      %dma_wait3A_108 = tpu.memref_slice %arg6[%arg0, %run_scoped3A_96, %mul3A_0, %dma_wait3A] : memref<2x2x5120x64xf32, #tpu.memory_space<hbm>> -> memref<1x1x320x64xf32, #tpu.memory_space<hbm>>
      %dma_wait3A_109 = tpu.memref_squeeze %dma_wait3A_108 : memref<1x1x320x64xf32, #tpu.memory_space<hbm>> -> memref<320x64xf32, #tpu.memory_space<hbm>>
      %dma_wait3A_110 = arith.constant 0 : i32
      %dma_wait3A_111 = tpu.memref_slice %arg15[%mul3A_0, %dma_wait3A_110] : memref<5120x64xf32, #tpu.memory_space<vmem_shared>> -> memref<320x64xf32, #tpu.memory_space<vmem_shared>>
      tpu.wait_dma2 semaphore(%run_scoped3A_103 : memref<!tpu.dma_semaphore, #tpu.memory_space<semaphore_mem>>) src(%dma_wait3A_111 : memref<320x64xf32, #tpu.memory_space<vmem_shared>>) dst(%dma_wait3A_109 : memref<320x64xf32, #tpu.memory_space<hbm>>)
      tpu.yield
    }) : () -> ()
    %eq3A_97 = arith.constant 0 : i32
    %eq3A_98 = arith.cmpi eq, %arg0, %eq3A_97 : i32
    %convert_element_type3A_99 = arith.extui %eq3A_98 : i1 to i32
    %cond3A_100 = arith.constant 0 : i32
    %cond3A_101 = arith.cmpi ne, %convert_element_type3A_99, %cond3A_100 : i32
    scf.if %cond3A_101 {
      %run_scoped3A_103 = arith.constant 1 : i32
      "tpu.region"() ({
        %run_scoped3A_104 = tpu.sem_alloc : memref<!tpu.dma_semaphore, #tpu.memory_space<semaphore_mem>>
        %dma_start3A = arith.constant 0 : i32
        %dma_start3A_105 = tpu.memref_slice %arg7[%run_scoped3A_103, %mul3A_0, %dma_start3A] : memref<2x5120x16xf32, #tpu.memory_space<hbm>> -> memref<1x320x16xf32, #tpu.memory_space<hbm>>
        %dma_start3A_106 = tpu.memref_squeeze %dma_start3A_105 : memref<1x320x16xf32, #tpu.memory_space<hbm>> -> memref<320x16xf32, #tpu.memory_space<hbm>>
        %dma_start3A_107 = arith.constant 0 : i32
        %dma_start3A_108 = tpu.memref_slice %arg16[%mul3A_0, %dma_start3A_107] : memref<5120x16xf32, #tpu.memory_space<vmem_shared>> -> memref<320x16xf32, #tpu.memory_space<vmem_shared>>
        tpu.enqueue_dma source(%dma_start3A_108 : memref<320x16xf32, #tpu.memory_space<vmem_shared>>) target(%dma_start3A_106 : memref<320x16xf32, #tpu.memory_space<hbm>>) target_semaphore(%run_scoped3A_104 : memref<!tpu.dma_semaphore, #tpu.memory_space<semaphore_mem>>)
        %dma_wait3A = arith.constant 0 : i32
        %dma_wait3A_109 = tpu.memref_slice %arg7[%run_scoped3A_103, %mul3A_0, %dma_wait3A] : memref<2x5120x16xf32, #tpu.memory_space<hbm>> -> memref<1x320x16xf32, #tpu.memory_space<hbm>>
        %dma_wait3A_110 = tpu.memref_squeeze %dma_wait3A_109 : memref<1x320x16xf32, #tpu.memory_space<hbm>> -> memref<320x16xf32, #tpu.memory_space<hbm>>
        %dma_wait3A_111 = arith.constant 0 : i32
        %dma_wait3A_112 = tpu.memref_slice %arg16[%mul3A_0, %dma_wait3A_111] : memref<5120x16xf32, #tpu.memory_space<vmem_shared>> -> memref<320x16xf32, #tpu.memory_space<vmem_shared>>
        tpu.wait_dma2 semaphore(%run_scoped3A_104 : memref<!tpu.dma_semaphore, #tpu.memory_space<semaphore_mem>>) src(%dma_wait3A_112 : memref<320x16xf32, #tpu.memory_space<vmem_shared>>) dst(%dma_wait3A_110 : memref<320x16xf32, #tpu.memory_space<hbm>>)
        tpu.yield
      }) : () -> ()
    } else {
    }
    %barrier3A_102 = arith.constant 0 : index
    tpu.barrier barrier_id(%barrier3A_102)
    return
  }
}

module attributes {stable_mosaic.version = 14 : i64} {
  func.func @_pre_body(%arg0: i32, %arg1: i32, %arg2: memref<1024x128xf32, #tpu.memory_space<vmem>>, %arg3: memref<64x256xf32, #tpu.memory_space<vmem>>, %arg4: memref<1x1x64xf32, #tpu.memory_space<vmem>>, %arg5: memref<1x1024x64xf32, #tpu.memory_space<vmem>>, %arg6: memref<1x1024x64xf32, #tpu.memory_space<vmem>>) attributes {dimension_semantics = [#tpu.dimension_semantics<arbitrary>, #tpu.dimension_semantics<arbitrary>], iteration_bounds = array<i64: 2, 10>, scalar_prefetch = 0 : i64, scratch_operands = 0 : i64, tpu.core_type = #tpu.core_type<tc>, window_params = [{transform_indices = @transform_0, window_bounds = array<i64: 1024, 128>}, {transform_indices = @transform_1, window_bounds = array<i64: 64, 256>}, {transform_indices = @transform_2, window_bounds = array<i64: 1, 1, 64>}, {transform_indices = @transform_3, window_bounds = array<i64: 1, 1024, 64>}, {transform_indices = @transform_4, window_bounds = array<i64: 1, 1024, 64>}]} {
    %get3A = arith.constant 0 : index
    %get3A_0 = arith.constant 0 : index
    %get3A_1 = vector.load %arg2[%get3A, %get3A_0] : memref<1024x128xf32, #tpu.memory_space<vmem>>, vector<1024x128xf32>
    %get3A_2 = arith.constant 0 : index
    %get3A_3 = arith.constant 0 : index
    %get3A_4 = vector.load %arg3[%get3A_2, %get3A_3] : memref<64x256xf32, #tpu.memory_space<vmem>>, vector<64x128xf32>
    %dot_general3A = arith.constant dense<0.000000e+00> : vector<1024x64xf32>
    %dot_general3A_5 = tpu.matmul %get3A_1, %get3A_4, %dot_general3A {dimension_numbers = #tpu.dot_dimension_numbers<[1], [1], [0], [0], [0, 0, 1, 0], [], []>, transpose_lhs_hint = false} : vector<1024x128xf32>, vector<64x128xf32>, vector<1024x64xf32> -> vector<1024x64xf32>
    %get3A_6 = arith.constant 0 : index
    %get3A_7 = arith.constant 0 : index
    %get3A_8 = arith.constant 0 : index
    %get3A_9 = vector.load %arg4[%get3A_6, %get3A_7, %get3A_8] : memref<1x1x64xf32, #tpu.memory_space<vmem>>, vector<1x1x64xf32>
    %get3A_10 = vector.shape_cast %get3A_9 : vector<1x1x64xf32> to vector<1x64xf32>
    %add3A = vector.broadcast %get3A_10 : vector<1x64xf32> to vector<1024x64xf32>
    %add3A_11 = arith.addf %dot_general3A_5, %add3A : vector<1024x64xf32>
    %swap3A = arith.constant 0 : index
    %swap3A_12 = arith.constant 0 : index
    %swap3A_13 = arith.constant 0 : index
    %swap3A_14 = vector.load %arg5[%swap3A, %swap3A_12, %swap3A_13] : memref<1x1024x64xf32, #tpu.memory_space<vmem>>, vector<1x1024x64xf32>
    %swap3A_15 = vector.shape_cast %swap3A_14 : vector<1x1024x64xf32> to vector<1024x64xf32>
    %swap3A_16 = vector.shape_cast %add3A_11 : vector<1024x64xf32> to vector<1x1024x64xf32>
    tpu.vector_store %arg5[%swap3A, %swap3A_12, %swap3A_13], %swap3A_16 {strides = array<i32>} : memref<1x1024x64xf32, #tpu.memory_space<vmem>>, vector<1x1024x64xf32>,
    %get3A_17 = arith.constant 0 : index
    %get3A_18 = arith.constant 128 : index
    %get3A_19 = vector.load %arg3[%get3A_17, %get3A_18] : memref<64x256xf32, #tpu.memory_space<vmem>>, vector<64x128xf32>
    %dot_general3A_20 = arith.constant dense<0.000000e+00> : vector<1024x64xf32>
    %dot_general3A_21 = tpu.matmul %get3A_1, %get3A_19, %dot_general3A_20 {dimension_numbers = #tpu.dot_dimension_numbers<[1], [1], [0], [0], [0, 0, 1, 0], [], []>, transpose_lhs_hint = false} : vector<1024x128xf32>, vector<64x128xf32>, vector<1024x64xf32> -> vector<1024x64xf32>
    %swap3A_22 = arith.constant 0 : index
    %swap3A_23 = arith.constant 0 : index
    %swap3A_24 = arith.constant 0 : index
    %swap3A_25 = vector.load %arg6[%swap3A_22, %swap3A_23, %swap3A_24] : memref<1x1024x64xf32, #tpu.memory_space<vmem>>, vector<1x1024x64xf32>
    %swap3A_26 = vector.shape_cast %swap3A_25 : vector<1x1024x64xf32> to vector<1024x64xf32>
    %swap3A_27 = vector.shape_cast %dot_general3A_21 : vector<1024x64xf32> to vector<1x1024x64xf32>
    tpu.vector_store %arg6[%swap3A_22, %swap3A_23, %swap3A_24], %swap3A_27 {strides = array<i32>} : memref<1x1024x64xf32, #tpu.memory_space<vmem>>, vector<1x1024x64xf32>,
    return
  }
  func.func @transform_0(%arg0: i32, %arg1: i32) -> (i32, i32) {
    %c0_i32 = arith.constant 0 : i32
    %c0_i32_0 = arith.constant 0 : i32
    return %arg1, %c0_i32 : i32, i32
  }
  func.func @transform_1(%arg0: i32, %arg1: i32) -> (i32, i32) {
    %c0_i32 = arith.constant 0 : i32
    %c0_i32_0 = arith.constant 0 : i32
    return %arg0, %c0_i32 : i32, i32
  }
  func.func @transform_2(%arg0: i32, %arg1: i32) -> (i32, i32, i32) {
    %c0_i32 = arith.constant 0 : i32
    %c0_i32_0 = arith.constant 0 : i32
    %c0_i32_1 = arith.constant 0 : i32
    return %arg0, %c0_i32, %c0_i32_0 : i32, i32, i32
  }
  func.func @transform_3(%arg0: i32, %arg1: i32) -> (i32, i32, i32) {
    %c0_i32 = arith.constant 0 : i32
    %c0_i32_0 = arith.constant 0 : i32
    return %arg0, %arg1, %c0_i32 : i32, i32, i32
  }
  func.func @transform_4(%arg0: i32, %arg1: i32) -> (i32, i32, i32) {
    %c0_i32 = arith.constant 0 : i32
    %c0_i32_0 = arith.constant 0 : i32
    return %arg0, %arg1, %c0_i32 : i32, i32, i32
  }
}

module attributes {stable_mosaic.version = 14 : i64} {
  func.func @_post_body(%arg0: i32, %arg1: memref<1000x128xf32, #tpu.memory_space<vmem>>, %arg2: memref<2x1x1000x64xf32, #tpu.memory_space<vmem>>, %arg3: memref<1x1000x16xf32, #tpu.memory_space<vmem>>, %arg4: memref<128x256xf32, #tpu.memory_space<vmem>>, %arg5: memref<1x128xf32, #tpu.memory_space<vmem>>, %arg6: memref<1x128xf32, #tpu.memory_space<vmem>>, %arg7: memref<1x128xf32, #tpu.memory_space<vmem>>, %arg8: memref<1000x128xf32, #tpu.memory_space<vmem>>) attributes {dimension_semantics = [#tpu.dimension_semantics<arbitrary>], iteration_bounds = array<i64: 10>, scalar_prefetch = 0 : i64, scratch_operands = 0 : i64, tpu.core_type = #tpu.core_type<tc>, window_params = [{transform_indices = @transform_0, window_bounds = array<i64: 1000, 128>}, {transform_indices = @transform_1, window_bounds = array<i64: 2, 1, 1000, 64>}, {transform_indices = @transform_2, window_bounds = array<i64: 1, 1000, 16>}, {pipeline_mode = #tpu.pipeline_mode<synchronous>, transform_indices = @transform_3, window_bounds = array<i64: 128, 256>}, {pipeline_mode = #tpu.pipeline_mode<synchronous>, transform_indices = @transform_4, window_bounds = array<i64: 1, 128>}, {pipeline_mode = #tpu.pipeline_mode<synchronous>, transform_indices = @transform_5, window_bounds = array<i64: 1, 128>}, {pipeline_mode = #tpu.pipeline_mode<synchronous>, transform_indices = @transform_6, window_bounds = array<i64: 1, 128>}, {transform_indices = @transform_7, window_bounds = array<i64: 1000, 128>}]} {
    %get3A = arith.constant 0 : index
    %get3A_0 = arith.constant 0 : index
    %get3A_1 = vector.load %arg1[%get3A, %get3A_0] : memref<1000x128xf32, #tpu.memory_space<vmem>>, vector<1000x128xf32>
    %get3A_2 = arith.constant 0 : index
    %get3A_3 = arith.constant 0 : index
    %get3A_4 = arith.constant 0 : index
    %get3A_5 = vector.load %arg3[%get3A_2, %get3A_3, %get3A_4] : memref<1x1000x16xf32, #tpu.memory_space<vmem>>, vector<1x1000x16xf32>
    %get3A_6 = vector.shape_cast %get3A_5 : vector<1x1000x16xf32> to vector<1000x16xf32>
    %slice3A = vector.extract_strided_slice %get3A_6 {offsets = [0, 0], sizes = [1000, 1], strides = [1, 1]} : vector<1000x16xf32> to vector<1000x1xf32>
    %max3A = arith.constant 1.000000e+00 : f32
    %max3A_7 = vector.broadcast %max3A : f32 to vector<1000x1xf32>
    %max3A_8 = arith.maximumf %slice3A, %max3A_7 : vector<1000x1xf32>
    %get3A_9 = arith.constant 0 : index
    %get3A_10 = arith.constant 0 : index
    %get3A_11 = arith.constant 0 : index
    %get3A_12 = arith.constant 0 : index
    %get3A_13 = vector.load %arg2[%get3A_9, %get3A_10, %get3A_11, %get3A_12] : memref<2x1x1000x64xf32, #tpu.memory_space<vmem>>, vector<1x1x1000x64xf32>
    %get3A_14 = vector.shape_cast %get3A_13 : vector<1x1x1000x64xf32> to vector<1000x64xf32>
    %div3A = vector.broadcast %max3A_8 : vector<1000x1xf32> to vector<1000x64xf32>
    %div3A_15 = arith.divf %get3A_14, %div3A : vector<1000x64xf32>
    %get3A_16 = arith.constant 1 : index
    %get3A_17 = arith.constant 0 : index
    %get3A_18 = arith.constant 0 : index
    %get3A_19 = arith.constant 0 : index
    %get3A_20 = vector.load %arg2[%get3A_16, %get3A_17, %get3A_18, %get3A_19] : memref<2x1x1000x64xf32, #tpu.memory_space<vmem>>, vector<1x1x1000x64xf32>
    %get3A_21 = vector.shape_cast %get3A_20 : vector<1x1x1000x64xf32> to vector<1000x64xf32>
    %div3A_22 = vector.broadcast %max3A_8 : vector<1000x1xf32> to vector<1000x64xf32>
    %div3A_23 = arith.divf %get3A_21, %div3A_22 : vector<1000x64xf32>
    %get3A_24 = arith.constant 0 : index
    %get3A_25 = arith.constant 0 : index
    %get3A_26 = vector.load %arg4[%get3A_24, %get3A_25] : memref<128x256xf32, #tpu.memory_space<vmem>>, vector<128x128xf32>
    %dot_general3A = arith.constant dense<0.000000e+00> : vector<1000x128xf32>
    %dot_general3A_27 = tpu.matmul %get3A_1, %get3A_26, %dot_general3A {dimension_numbers = #tpu.dot_dimension_numbers<[1], [1], [0], [0], [0, 0, 1, 0], [], []>, transpose_lhs_hint = false} : vector<1000x128xf32>, vector<128x128xf32>, vector<1000x128xf32> -> vector<1000x128xf32>
    %get3A_28 = arith.constant 0 : index
    %get3A_29 = arith.constant 128 : index
    %get3A_30 = vector.load %arg4[%get3A_28, %get3A_29] : memref<128x256xf32, #tpu.memory_space<vmem>>, vector<128x64xf32>
    %dot_general3A_31 = arith.constant dense<0.000000e+00> : vector<1000x128xf32>
    %dot_general3A_32 = tpu.matmul %div3A_15, %get3A_30, %dot_general3A_31 {dimension_numbers = #tpu.dot_dimension_numbers<[1], [1], [0], [0], [0, 0, 1, 0], [], []>, transpose_lhs_hint = false} : vector<1000x64xf32>, vector<128x64xf32>, vector<1000x128xf32> -> vector<1000x128xf32>
    %add3A = arith.addf %dot_general3A_27, %dot_general3A_32 : vector<1000x128xf32>
    %get3A_33 = arith.constant 0 : index
    %get3A_34 = arith.constant 192 : index
    %get3A_35 = vector.load %arg4[%get3A_33, %get3A_34] : memref<128x256xf32, #tpu.memory_space<vmem>>, vector<128x64xf32>
    %dot_general3A_36 = arith.constant dense<0.000000e+00> : vector<1000x128xf32>
    %dot_general3A_37 = tpu.matmul %div3A_23, %get3A_35, %dot_general3A_36 {dimension_numbers = #tpu.dot_dimension_numbers<[1], [1], [0], [0], [0, 0, 1, 0], [], []>, transpose_lhs_hint = false} : vector<1000x64xf32>, vector<128x64xf32>, vector<1000x128xf32> -> vector<1000x128xf32>
    %add3A_38 = arith.addf %add3A, %dot_general3A_37 : vector<1000x128xf32>
    %get3A_39 = arith.constant 0 : index
    %get3A_40 = arith.constant 0 : index
    %get3A_41 = vector.load %arg5[%get3A_39, %get3A_40] : memref<1x128xf32, #tpu.memory_space<vmem>>, vector<1x128xf32>
    %add3A_42 = vector.broadcast %get3A_41 : vector<1x128xf32> to vector<1000x128xf32>
    %add3A_43 = arith.addf %add3A_38, %add3A_42 : vector<1000x128xf32>
    %max3A_44 = arith.constant 0.000000e+00 : f32
    %max3A_45 = vector.broadcast %max3A_44 : f32 to vector<1000x128xf32>
    %max3A_46 = arith.maximumf %add3A_43, %max3A_45 : vector<1000x128xf32>
    %add3A_47 = arith.addf %max3A_46, %get3A_1 : vector<1000x128xf32>
    %reduce_sum3A = arith.constant dense<0.000000e+00> : vector<1000xf32>
    %reduce_sum3A_48 = vector.multi_reduction <add>, %add3A_47, %reduce_sum3A [1] : vector<1000x128xf32> to vector<1000xf32>
    %broadcast_in_dim3A = vector.shape_cast %reduce_sum3A_48 : vector<1000xf32> to vector<1000x1xf32>
    %div3A_49 = arith.constant 1.280000e+02 : f32
    %div3A_50 = vector.broadcast %div3A_49 : f32 to vector<1000x1xf32>
    %div3A_51 = arith.divf %broadcast_in_dim3A, %div3A_50 : vector<1000x1xf32>
    %sub3A = vector.broadcast %div3A_51 : vector<1000x1xf32> to vector<1000x128xf32>
    %sub3A_52 = arith.subf %add3A_47, %sub3A : vector<1000x128xf32>
    %sub3A_53 = vector.broadcast %div3A_51 : vector<1000x1xf32> to vector<1000x128xf32>
    %sub3A_54 = arith.subf %add3A_47, %sub3A_53 : vector<1000x128xf32>
    %mul3A = arith.mulf %sub3A_52, %sub3A_54 : vector<1000x128xf32>
    %reduce_sum3A_55 = arith.constant dense<0.000000e+00> : vector<1000xf32>
    %reduce_sum3A_56 = vector.multi_reduction <add>, %mul3A, %reduce_sum3A_55 [1] : vector<1000x128xf32> to vector<1000xf32>
    %broadcast_in_dim3A_57 = vector.shape_cast %reduce_sum3A_56 : vector<1000xf32> to vector<1000x1xf32>
    %div3A_58 = arith.constant 1.280000e+02 : f32
    %div3A_59 = vector.broadcast %div3A_58 : f32 to vector<1000x1xf32>
    %div3A_60 = arith.divf %broadcast_in_dim3A_57, %div3A_59 : vector<1000x1xf32>
    %sub3A_61 = vector.broadcast %div3A_51 : vector<1000x1xf32> to vector<1000x128xf32>
    %sub3A_62 = arith.subf %add3A_47, %sub3A_61 : vector<1000x128xf32>
    %add3A_63 = arith.constant 9.99999974E-6 : f32
    %add3A_64 = vector.broadcast %add3A_63 : f32 to vector<1000x1xf32>
    %add3A_65 = arith.addf %div3A_60, %add3A_64 : vector<1000x1xf32>
    %sqrt3A = math.sqrt %add3A_65 : vector<1000x1xf32>
    %div3A_66 = vector.broadcast %sqrt3A : vector<1000x1xf32> to vector<1000x128xf32>
    %div3A_67 = arith.divf %sub3A_62, %div3A_66 : vector<1000x128xf32>
    %get3A_68 = arith.constant 0 : index
    %get3A_69 = arith.constant 0 : index
    %get3A_70 = vector.load %arg6[%get3A_68, %get3A_69] : memref<1x128xf32, #tpu.memory_space<vmem>>, vector<1x128xf32>
    %mul3A_71 = vector.broadcast %get3A_70 : vector<1x128xf32> to vector<1000x128xf32>
    %mul3A_72 = arith.mulf %div3A_67, %mul3A_71 : vector<1000x128xf32>
    %get3A_73 = arith.constant 0 : index
    %get3A_74 = arith.constant 0 : index
    %get3A_75 = vector.load %arg7[%get3A_73, %get3A_74] : memref<1x128xf32, #tpu.memory_space<vmem>>, vector<1x128xf32>
    %add3A_76 = vector.broadcast %get3A_75 : vector<1x128xf32> to vector<1000x128xf32>
    %add3A_77 = arith.addf %mul3A_72, %add3A_76 : vector<1000x128xf32>
    %swap3A = arith.constant 0 : index
    %swap3A_78 = arith.constant 0 : index
    %swap3A_79 = vector.load %arg8[%swap3A, %swap3A_78] : memref<1000x128xf32, #tpu.memory_space<vmem>>, vector<1000x128xf32>
    tpu.vector_store %arg8[%swap3A, %swap3A_78], %add3A_77 {strides = array<i32>} : memref<1000x128xf32, #tpu.memory_space<vmem>>, vector<1000x128xf32>,
    return
  }
  func.func @transform_0(%arg0: i32) -> (i32, i32) {
    %c0_i32 = arith.constant 0 : i32
    %c0_i32_0 = arith.constant 0 : i32
    return %arg0, %c0_i32 : i32, i32
  }
  func.func @transform_1(%arg0: i32) -> (i32, i32, i32, i32) {
    %jit3A = arith.constant 5 : i32
    %div3A = arith.divsi %arg0, %jit3A : i32
    %sign3A = arith.constant 0 : i32
    %sign3A_0 = arith.cmpi sgt, %arg0, %sign3A : i32
    %sign3A_1 = arith.extui %sign3A_0 : i1 to i32
    %sign3A_2 = arith.constant 0 : i32
    %sign3A_3 = arith.cmpi slt, %arg0, %sign3A_2 : i32
    %sign3A_4 = arith.extui %sign3A_3 : i1 to i32
    %sign3A_5 = arith.subi %sign3A_1, %sign3A_4 : i32
    %sign3A_6 = arith.constant 0 : i32
    %sign3A_7 = arith.cmpi sgt, %jit3A, %sign3A_6 : i32
    %sign3A_8 = arith.extui %sign3A_7 : i1 to i32
    %sign3A_9 = arith.constant 0 : i32
    %sign3A_10 = arith.cmpi slt, %jit3A, %sign3A_9 : i32
    %sign3A_11 = arith.extui %sign3A_10 : i1 to i32
    %sign3A_12 = arith.subi %sign3A_8, %sign3A_11 : i32
    %ne3A = arith.cmpi ne, %sign3A_5, %sign3A_12 : i32
    %rem3A = arith.remsi %arg0, %jit3A : i32
    %ne3A_13 = arith.constant 0 : i32
    %ne3A_14 = arith.cmpi ne, %rem3A, %ne3A_13 : i32
    %and3A = arith.andi %ne3A, %ne3A_14 : i1
    %sub3A = arith.constant 1 : i32
    %sub3A_15 = arith.subi %div3A, %sub3A : i32
    %select_n3A = arith.select %and3A, %sub3A_15, %div3A : i32
    %jit3A_16 = arith.constant 5 : i32
    %eq3A = arith.constant 0 : i32
    %eq3A_17 = arith.cmpi eq, %jit3A_16, %eq3A : i32
    %jit3A_18 = arith.constant 1 : i32
    %select_n3A_19 = arith.select %eq3A_17, %jit3A_18, %jit3A_16 : i32
    %rem3A_20 = arith.remsi %arg0, %select_n3A_19 : i32
    %ne3A_21 = arith.constant 0 : i32
    %ne3A_22 = arith.cmpi ne, %rem3A_20, %ne3A_21 : i32
    %lt3A = arith.constant 0 : i32
    %lt3A_23 = arith.cmpi slt, %rem3A_20, %lt3A : i32
    %lt3A_24 = arith.constant 0 : i32
    %lt3A_25 = arith.cmpi slt, %select_n3A_19, %lt3A_24 : i32
    %ne3A_26 = arith.xori %lt3A_23, %lt3A_25 : i1
    %and3A_27 = arith.andi %ne3A_26, %ne3A_22 : i1
    %add3A = arith.addi %rem3A_20, %select_n3A_19 : i32
    %select_n3A_28 = arith.select %and3A_27, %add3A, %rem3A_20 : i32
    %c0_i32 = arith.constant 0 : i32
    %c0_i32_29 = arith.constant 0 : i32
    %c0_i32_30 = arith.constant 0 : i32
    return %c0_i32, %select_n3A, %select_n3A_28, %c0_i32_29 : i32, i32, i32, i32
  }
  func.func @transform_2(%arg0: i32) -> (i32, i32, i32) {
    %jit3A = arith.constant 5 : i32
    %div3A = arith.divsi %arg0, %jit3A : i32
    %sign3A = arith.constant 0 : i32
    %sign3A_0 = arith.cmpi sgt, %arg0, %sign3A : i32
    %sign3A_1 = arith.extui %sign3A_0 : i1 to i32
    %sign3A_2 = arith.constant 0 : i32
    %sign3A_3 = arith.cmpi slt, %arg0, %sign3A_2 : i32
    %sign3A_4 = arith.extui %sign3A_3 : i1 to i32
    %sign3A_5 = arith.subi %sign3A_1, %sign3A_4 : i32
    %sign3A_6 = arith.constant 0 : i32
    %sign3A_7 = arith.cmpi sgt, %jit3A, %sign3A_6 : i32
    %sign3A_8 = arith.extui %sign3A_7 : i1 to i32
    %sign3A_9 = arith.constant 0 : i32
    %sign3A_10 = arith.cmpi slt, %jit3A, %sign3A_9 : i32
    %sign3A_11 = arith.extui %sign3A_10 : i1 to i32
    %sign3A_12 = arith.subi %sign3A_8, %sign3A_11 : i32
    %ne3A = arith.cmpi ne, %sign3A_5, %sign3A_12 : i32
    %rem3A = arith.remsi %arg0, %jit3A : i32
    %ne3A_13 = arith.constant 0 : i32
    %ne3A_14 = arith.cmpi ne, %rem3A, %ne3A_13 : i32
    %and3A = arith.andi %ne3A, %ne3A_14 : i1
    %sub3A = arith.constant 1 : i32
    %sub3A_15 = arith.subi %div3A, %sub3A : i32
    %select_n3A = arith.select %and3A, %sub3A_15, %div3A : i32
    %jit3A_16 = arith.constant 5 : i32
    %eq3A = arith.constant 0 : i32
    %eq3A_17 = arith.cmpi eq, %jit3A_16, %eq3A : i32
    %jit3A_18 = arith.constant 1 : i32
    %select_n3A_19 = arith.select %eq3A_17, %jit3A_18, %jit3A_16 : i32
    %rem3A_20 = arith.remsi %arg0, %select_n3A_19 : i32
    %ne3A_21 = arith.constant 0 : i32
    %ne3A_22 = arith.cmpi ne, %rem3A_20, %ne3A_21 : i32
    %lt3A = arith.constant 0 : i32
    %lt3A_23 = arith.cmpi slt, %rem3A_20, %lt3A : i32
    %lt3A_24 = arith.constant 0 : i32
    %lt3A_25 = arith.cmpi slt, %select_n3A_19, %lt3A_24 : i32
    %ne3A_26 = arith.xori %lt3A_23, %lt3A_25 : i1
    %and3A_27 = arith.andi %ne3A_26, %ne3A_22 : i1
    %add3A = arith.addi %rem3A_20, %select_n3A_19 : i32
    %select_n3A_28 = arith.select %and3A_27, %add3A, %rem3A_20 : i32
    %c0_i32 = arith.constant 0 : i32
    %c0_i32_29 = arith.constant 0 : i32
    return %select_n3A, %select_n3A_28, %c0_i32 : i32, i32, i32
  }
  func.func @transform_3(%arg0: i32) -> (i32, i32) {
    %c0_i32 = arith.constant 0 : i32
    %c0_i32_0 = arith.constant 0 : i32
    %c0_i32_1 = arith.constant 0 : i32
    return %c0_i32, %c0_i32_0 : i32, i32
  }
  func.func @transform_4(%arg0: i32) -> (i32, i32) {
    %c0_i32 = arith.constant 0 : i32
    %c0_i32_0 = arith.constant 0 : i32
    %c0_i32_1 = arith.constant 0 : i32
    return %c0_i32, %c0_i32_0 : i32, i32
  }
  func.func @transform_5(%arg0: i32) -> (i32, i32) {
    %c0_i32 = arith.constant 0 : i32
    %c0_i32_0 = arith.constant 0 : i32
    %c0_i32_1 = arith.constant 0 : i32
    return %c0_i32, %c0_i32_0 : i32, i32
  }
  func.func @transform_6(%arg0: i32) -> (i32, i32) {
    %c0_i32 = arith.constant 0 : i32
    %c0_i32_0 = arith.constant 0 : i32
    %c0_i32_1 = arith.constant 0 : i32
    return %c0_i32, %c0_i32_0 : i32, i32
  }
  func.func @transform_7(%arg0: i32) -> (i32, i32) {
    %c0_i32 = arith.constant 0 : i32
    %c0_i32_0 = arith.constant 0 : i32
    return %arg0, %c0_i32 : i32, i32
  }
}

</mosaic_0001>

<sc_bundles>
// kernel: kernel.5.cloned.1.call-start
scs
__scs_entry_jumppad:
0x0: {  	(pc) =	sbr.rel $0x88, $3  }
0x1: {  	(tag) =	ssettag $0x0;
	lr =	simm.s32 $0x1  }
0x2: {  	[smem:$0x3F99] =	sst lr;
	_ =	strace $0xD0000000  }
0x3: {  	_ = 	snop  }
0x4: {  	_ = 	snop  }
0x5: {  	_ = 	snop  }
0x6: {  	_ = 	snop  }
0x7: {  	_ = 	snop  }
__scs_overlays_trampoline_lowered:
0x8: {  	[smem:$0x3FA8] =	sst s0  }
0x9: {  	[smem:$0x3FA9] =	sst s1  }
0xa: {  	[smem:$0x3FAA] =	sst s2  }
0xb: {  	[smem:$0x3FAB] =	sst s3  }
0xc: {  	[smem:$0x3FAC] =	sst s4  }
0xd: {  	[smem:$0x3FAD] =	sst s5  }
0xe: {  	[smem:$0x3FAE] =	sst s6  }
0xf: {  	[smem:$0x3FAF] =	sst s7  }
0x10: {  	[smem:$0x3FB0] =	sst s8  }
0x11: {  	[smem:$0x3FB1] =	sst s9;
	s0 =	simm.s32 @!p0 $0x0  }
0x12: {  	s1 =	sld [smem:$0x3F97];
	s0 =	simm.s32 @p0 $0x1  }
0x13: {  	[smem:$0x3FB2] =	sst s0;
	s0 =	simm.s32 @!p1 $0x0  }
0x14: {  	s2 =	sld [smem:$0x3F96];
	s0 =	simm.s32 @p1 $0x1  }
0x15: {  	[smem:$0x3FB3] =	sst s0;
	s0 =	simm.s32 @!p2 $0x0  }
0x16: {  	s3 =	sld [smem:$0x3FDB];
	s0 =	simm.s32 @p2 $0x1  }
0x17: {  	s4 =	simm.s32 $0x1BF5;
	[smem:$0x3FB5] =	sst s0  }
0x18: {  	s0 =	sld [smem:$0x3F98];
	_ =	swait.ge [sflag:s4], $0x0  }
0x19: {  	s7 =	sld [smem:$0x3F99]  }
0x1a: {  	s8 =	sadd.s32 $0xFFFFE003, lr  }
0x1b: {  	s9 =	sadd.s32 $0xFFFFFEF7, lr;
	s5 =	simm.s32 $0xFFFFFFFF;
	p2 =	slt.u32 s8, $0xFFFFF086  }
0x1c: {  	p1 =	slt.u32 s9, $0xF7A;
	s5 =	simm.s32 @!p2 $0x0  }
0x1d: {  	s5 =	simm.s32 @p1 $0x1;
	p0 =	seq.s32 s7, s2  }
0x1e: {  	s7 =	smul.u32 @!p0 $0xF7A, s2;
	p2 =	seq.s32 @!p0 s5, $0x0  }
0x1f: {  	s9 =	smul.u32 $0xF7A, s1;
	s8 =	simm.s32 @!p0 $0x1BF5;
	p2 =	por !p2, p0  }
0x20: {  	[sflag:s8] =	ssyncset.s32 @!p0 $0xFFFFF086;
	s6 =	sadd.s32 @!p0 s3, s7;
	s7 =	simm.s32 @!p0 $0x108  }
0x21: {  	s3 =	sadd.s32 s3, s9;
	s6 =	sadd.s32 @!p0 $0x88, s6;
	s7 =	simm.s32 @p2 $0x1082  }
0x22: {  	[simem:s7], [sflag:s8] =	dma.local @!p0 [hbm:s6], $0xF7A  }
0x23: {  	s9 =	sor.u32 $0xD0000000, s2;
	s6 =	simm.s32 $0x108;
	_ =	swait.ge @!p0 [sflag:s8], $0x0  }
0x24: {  	s3 =	sadd.s32 $0x88, s3;
	s6 =	simm.s32 @!p1 $0x1082;
	[sflag:s4] =	ssyncset.s32 $0xFFFFF086  }
0x25: {  	[simem:s6], [sflag:s4] =	dma.local [hbm:s3], $0xF7A  }
0x26: {  	[smem:$0x3F99] =	sst s1;
	(tag) =	ssettag s2;
	_ =	strace s9  }
0x27: {  	s1 =	sld [smem:$0x3FA9]  }
0x28: {  	s2 =	sld [smem:$0x3FAA]  }
0x29: {  	s4 =	sld [smem:$0x3FAC]  }
0x2a: {  	p0 =	seq.s32 s5, $0x0;
	s5 =	sld [smem:$0x3FAD]  }
0x2b: {  	s6 =	sld [smem:$0x3FAE]  }
0x2c: {  	s7 =	sld [smem:$0x3FAF]  }
0x2d: {  	s3 =	simm.s32 $0x108;
	s8 =	sld [smem:$0x3FB0]  }
0x2e: {  	s3 =	simm.s32 @!p0 $0x1082;
	s9 =	sld [smem:$0x3FB1]  }
0x2f: {  	lr =	sadd.s32 s0, s3;
	s0 =	sld [smem:$0x3FA8]  }
0x30: {  	s3 =	sld [smem:$0x3FAB]  }
0x31: {  	[smem:$0x3FB4] =	sst s10  }
0x32: {  	s10 =	sld [smem:$0x3FB2];
	_ =	sdelay $0x3  }
0x33: {  	p0 =	seq.s32 s10, $0x1;
	s10 =	sld [smem:$0x3FB4];
	_ =	sdelay $0x3  }
0x34: {  	[smem:$0x3FB4] =	sst s10  }
0x35: {  	s10 =	sld [smem:$0x3FB3];
	_ =	sdelay $0x3  }
0x36: {  	p1 =	seq.s32 s10, $0x1;
	s10 =	sld [smem:$0x3FB4];
	_ =	sdelay $0x3  }
0x37: {  	[smem:$0x3FB4] =	sst s10  }
0x38: {  	s10 =	sld [smem:$0x3FB5]  }
0x39: {  	_ = 	snop;
	(pc) =	sbr.ind lr, $3  }
0x3a: {  	_ = 	snop  }
0x3b: {  	_ = 	snop  }
0x3c: {  	p2 =	seq.s32 s10, $0x1;
	s10 =	sld [smem:$0x3FB4]  }
0x3d: {  	_ =	shalt  }
0x3e: {  	_ =	shalt  }
0x3f: {  	_ =	shalt  }
0x40: {  	_ =	shalt  }
0x41: {  	_ =	shalt  }
0x42: {  	_ =	shalt  }
0x43: {  	_ =	shalt  }
0x44: {  	_ =	shalt  }
0x45: {  	_ =	shalt  }
0x46: {  	_ =	shalt  }
0x47: {  	_ =	shalt  }
0x48: {  	_ =	shalt  }
0x49: {  	_ =	shalt  }
0x4a: {  	_ =	shalt  }
0x4b: {  	_ =	shalt  }
0x4c: {  	_ =	shalt  }
0x4d: {  	_ =	shalt  }
0x4e: {  	_ =	shalt  }
0x4f: {  	_ =	shalt  }
0x50: {  	_ =	shalt  }
0x51: {  	_ =	shalt  }
0x52: {  	_ =	shalt  }
0x53: {  	_ =	shalt  }
0x54: {  	_ =	shalt  }
0x55: {  	_ =	shalt  }
0x56: {  	_ =	shalt  }
0x57: {  	_ =	shalt  }
0x58: {  	_ =	shalt  }
0x59: {  	_ =	shalt  }
0x5a: {  	_ =	shalt  }
0x5b: {  	_ =	shalt  }
0x5c: {  	_ =	shalt  }
0x5d: {  	_ =	shalt  }
0x5e: {  	_ =	shalt  }
0x5f: {  	_ =	shalt  }
0x60: {  	_ =	shalt  }
0x61: {  	_ =	shalt  }
0x62: {  	_ =	shalt  }
0x63: {  	_ =	shalt  }
0x64: {  	_ =	shalt  }
0x65: {  	_ =	shalt  }
0x66: {  	_ =	shalt  }
0x67: {  	_ =	shalt  }
0x68: {  	_ =	shalt  }
0x69: {  	_ =	shalt  }
0x6a: {  	_ =	shalt  }
0x6b: {  	_ =	shalt  }
0x6c: {  	_ =	shalt  }
0x6d: {  	_ =	shalt  }
0x6e: {  	_ =	shalt  }
0x6f: {  	_ =	shalt  }
0x70: {  	_ =	shalt  }
0x71: {  	_ =	shalt  }
0x72: {  	_ =	shalt  }
0x73: {  	_ =	shalt  }
0x74: {  	_ =	shalt  }
0x75: {  	_ =	shalt  }
0x76: {  	_ =	shalt  }
0x77: {  	_ =	shalt  }
0x78: {  	_ =	shalt  }
0x79: {  	_ =	shalt  }
0x7a: {  	_ =	shalt  }
0x7b: {  	_ =	shalt  }
0x7c: {  	_ =	shalt  }
0x7d: {  	_ =	shalt  }
0x7e: {  	_ =	shalt  }
0x7f: {  	_ =	shalt  }
0x80: {  	_ =	shalt  }
0x81: {  	_ =	shalt  }
0x82: {  	_ =	shalt  }
0x83: {  	_ =	shalt  }
0x84: {  	_ =	shalt  }
0x85: {  	_ =	shalt  }
0x86: {  	_ =	shalt  }
0x87: {  	_ =	shalt  }
.Lfunc_end0:
.L_simem_size_0:
called_computation_lowered:
.L_overlay_start_0:
0x88: {  	s2 =	sld [smem:$0x3FD9]  }
0x89: {  	s3 =	sld [smem:$0x3FFE];
	_ =	sdelay $0x1  }
0x8a: {  	s1 =	srdreg.scid  }
0x8b: {  	s0 =	sand.u32 $0x1, s1  }
0x8c: {  	s17 =	sshll.u32 s0, $0xA;
	s2 =	sadd.s32 s3, s2  }
0x8d: {  	s2 =	sadd.s32 s2, s17  }
0x8e: {  	[smem:$0x3FC0] =	sst s2  }
0x8f: {  	_ = 	snop  }
0x90: {  	s2 =	sld [smem:$0x3FD0];
	(tm) =	ssettm $0x1  }
0x91: {  	s18 =	sld [smem:$0x3FFB];
	_ =	sdelay $0x3  }
0x92: {  	_ =	strace s18  }
0x93: {  	s3 =	sld [smem:$0x3FFC];
	_ =	sdelay $0x3  }
0x94: {  	_ =	strace s3  }
0x95: {  	s3 =	sld [smem:$0x3FFD];
	_ =	sdelay $0x3  }
0x96: {  	_ =	strace s3  }
0x97: {  	_ =	strace $0x8FFFFFFF  }
0x98: {  	s19 =	sld [smem:$0x3FDB];
	_ =	sdelay $0x1  }
0x99: {  	s4 =	simm.s32 $_scs_section_size  }
0x9a: {  	s5 =	simm.s32 $_size__tile_overlayer_lowered;
	s6 =	simm.s32 $_tile_overlayer_lowered  }
0x9b: {  	s22 =	simm.s32 $0x1BFF;
	s21 =	sshll.u32 s6, $0x1;
	s3 =	sadd.s32 s4, s19  }
0x9c: {  	s7 =	simm.s32 $0x0;
	s20 =	sshll.u32 s5, $0x1;
	s5 =	sadd.s32 s21, s3  }
0x9d: {  	[timem:s7], [sflag:s22] =	dma.local [hbm:s5], s20  }
0x9e: {  	_ =	swait.ge [sflag:s22], s20  }
0x9f: {  	s4 =	ssub.s32 $0x0, s20;
	[sflag:s22] =	ssyncset.done $0x0  }
0xa0: {  	[sflag:s22] =	ssyncadd.s32 s4;
	_ =	sdelay $0x1  }
0xa1: {  	s23 =	simm.s32 $0x1B8B  }
0xa2: {  	_ =	swait.ge [sflag:s23], $0x1  }
0xa3: {  	[sflag:s23] =	ssyncset.done $0x0  }
0xa4: {  	s25 =	simm.s32 $0x1B8E;
	s24 =	sld [smem:$0x3FFE];
	[sflag:s23] =	ssyncadd.s32 $0xFFFFFFFF  }
0xa5: {  	s26 =	simm.s32 $execute0_lowered;
	[smem:$0x3FD2] =	sst s25  }
0xa6: {  	s5 =	sshll.u32 s26, $0x1;
	_ =	strace $0x80000046;
	[dreg:$0x1] =	wrdreg $0xFFFFFFFF  }
0xa7: {  	s28 =	simm.s32 $_size_execute0_lowered;
	s3 =	sadd.s32 s3, s5;
	[dreg:$0x0] =	wrdreg $0x0  }
0xa8: {  	s5 =	sshll.u32 s28, $0x1;
	[dreg:$0x2] =	wrdreg s3  }
0xa9: {  	[dreg:$0x3] =	wrdreg s5  }
0xaa: {  	[dreg:$0x4] =	wrdreg $0xC0  }
0xab: {  	_ =	task [dreg:s7], $0x5FFFF  }
0xac: {  	[dreg:$0x1] =	wrdreg $0xFFFFFFFF  }
0xad: {  	[dreg:$0x0] =	wrdreg $0x60  }
0xae: {  	[dreg:$0x2] =	wrdreg s24  }
0xaf: {  	[dreg:$0x3] =	wrdreg s2  }
0xb0: {  	[dreg:$0x4] =	wrdreg $0x158000  }
0xb1: {  	[dreg:$0x5] =	wrdreg $0x1A8000  }
0xb2: {  	[dreg:$0x6] =	wrdreg $0x9  }
0xb3: {  	_ =	task.clear_ibuf [dreg:s7], $0x7FFFF;
	_ =	strace $0x90000046  }
0xb4: {  	s29 =	simm.s32 $0x9;
	_ =	strace $0x80000048  }
0xb5: {  	_ =	swait.ge [sflag:s29], $0x1  }
0xb6: {  	[sflag:s29] =	ssyncadd.s32 $0xFFFFFFFF  }
0xb7: {  	_ =	strace $0x90000048  }
0xb8: {  	_ =	sfence  }
0xb9: {  	s30 =	sld [smem:$0x0];
	_ =	sdelay $0x2  }
0xba: {  	s31 =	sshll.u32 s1, $0xD;
	s1 =	sshrl.u32 s1, $0x2  }
0xbb: {  	s3 =	sand.u32 $0x4000, s31;
	s1 =	sadd.s32 s1, s30  }
0xbc: {  	s0 =	sor.u32 s3, s0;
	s1 =	sshll.u32 s1, $0x11  }
0xbd: {  	s0 =	sor.u32 s1, s0  }
0xbe: {  	s0 =	sadd.s32 $0x8F2B, s0  }
0xbf: {  	[sflag:s0] =	ssyncadd.remote.s32 $0x1  }
0xc0: {  	_ =	sfence.sel $0xFFFF  }
0xc1: {  	[dreg:$0x0] =	wrdreg $0xFFFFFFFF;
	(pc) =	sbr.abs _section_cstart, $3  }
0xc2: {  	[dreg:$0x1] =	wrdreg $0xFFFFFFFF  }
0xc3: {  	_ =	task.clear_ibuf [dreg:s7], $0x2FFFF;
	_ =	strace $0x9FFFFFFF  }
0xc4: {  	(tm) =	ssettm $0x7FFFFFFF  }
0xc5: {  	_ =	shalt  }
tec
execute0_lowered:
.L_overlay_start_1:
0x0: {  	(tag) =	ssettag $0x1  }
0x1: {  	s0 =	rddreg [dreg:$0x0]  }
0x2: {  	s1 =	rddreg [dreg:$0x1]  }
0x3: {  	s2 =	rddreg [dreg:$0x2];
	s13 =	stileid.u32  }
0x4: {  	s3 =	rddreg [dreg:$0x3];
	s7 =	smul.u32 $0x5000, s13  }
0x5: {  	s4 =	srdreg.scid;
	s5 =	simm.s32 $0x0;
	s8 =	smul.u32 $0xA00, s13  }
0x6: {  	s28 =	simm.s32 $0x11000;
	s29 =	simm.s32 $0x3;
	s10 =	smul.u32 $0x1400, s13  }
0x7: {  	s30 =	simm.s32 $0x0;
	s4 =	sand.u32 $0x1, s4;
	s13 =	smul.u32 $0x140, s13  }
0x8: {  	[smem:$0x7FF] =	sst s5;
	s5 =	sadd.s32 $0x1800, s0;
	s6 =	smul.u32 $0xA0000, s4  }
0x9: {  	_ =	strace $0x80000047;
	s12 =	ssub.s32 $0x2, s4;
	s21 =	smul.u32 $0x2800, s4  }
0xa: {  	p0 =	sne.s32 s4, $0x0;
	s11 =	sadd.s32 s8, s0;
	s18 =	sshrl.u32 s10, $0x3  }
0xb: {  	s19 =	sshrl.u32 s12, $0x1;
	s1 =	sadd.s32 s1, s8;
	s22 =	sadd.s32 $0x80, s13  }
0xc: {  	s10 =	sadd.s32 s10, s3;
	s14 =	sadd.s32 $0x100, s13;
	s9 =	sadd.s32 s7, s6  }
0xd: {  	s6 =	sadd.s32 $0x51800, s0;
	s19 =	ssub.s32 s12, s19;
	[dreg:$0x5] =	wrdreg s1  }
0xe: {  	s20 =	sadd.s32 $0x29800, s11;
	s23 =	sshll.u32 s22, $0x6;
	s24 =	sshll.u32 s14, $0x6  }
0xf: {  	s25 =	sshll.u32 s14, $0x4;
	s31 =	sadd.s32 $0x1388, s21;
	s9 =	sshrl.u32 s9, $0x3  }
0x10: {  	[dreg:$0x6] =	wrdreg s20;
	s11 =	sadd.s32 s23, s2;
	s13 =	sadd.s32 s24, s2  }
0x11: {  	s14 =	sadd.s32 s25, s3;
	s19 =	smax.u32 s19, $0x1;
	s20 =	simm.s32 $0x2  }
0x12: {  	s23 =	simm.s32 $0x15000;
	s24 =	simm.s32 $0x80;
	s25 =	simm.s32 $0xF000  }
0x13: {  	s15 =	sadd.s32 s9, s0;
	s9 =	sadd.s32 s7, s2;
	s7 =	sshll.u32 s22, $0x4  }
0x14: {  	s0 =	sadd.s32 s18, s0;
	s22 =	simm.s32 $0x13000;
	s12 =	sadd.s32 s7, s3  }
0x15: {  	v0 =	vimm.f32 $0.0e+00;
	vm0 =	vcmask $0x300;
	s26 =	sadd.s32 $0x79800, s15;
	s16 =	sadd.s32 $0x33800, s0;
	s17 =	sadd.s32 $0x83800, s15  }
0x16: {  	v3 =	vsel vm0, $0x3F800000, v0;
	v1 =	vmov s21;
	v2 =	vmov s31;
	s18 =	sadd.s32 $0x36000, s0;
	[dreg:$0x7] =	wrdreg s26;
	s26 =	simm.s32 $0x1  }
.LBB2_1:
0x17: {  	s0 =	simm.s32 $0x0;
	s1 =	rddreg [dreg:$0x5]  }
0x18: {  	[tilespmem:s0], [sflag:$0x2] =	stream.linear.gather [hbm4b:s1+s0], $0x5000, $0x38;
	[tilespmem:$0x1BC00] =	vst v63  }
0x19: {  	_ =	swait.ge [sflag:s20], $0x5000  }
0x1a: {  	[sflag:s20] =	ssyncset.done $0x0  }
0x1b: {  	s4 =	simm.s32 $0x5000;
	s31 =	rddreg [dreg:$0x6];
	[sflag:s20] =	ssyncadd.s32 $0xFFFFB000  }
0x1c: {  	[tilespmem:s4], [sflag:$0x2] =	stream.linear.gather [hbm4b:s31+s0], $0x5000, $0x38;
	[tilespmem:$0x1BC00] =	vst v63  }
0x1d: {  	_ =	swait.ge [sflag:s20], $0x5000  }
0x1e: {  	[sflag:s20] =	ssyncset.done $0x0  }
0x1f: {  	s0 =	simm.s32 $0x0;
	[sflag:s20] =	ssyncadd.s32 $0xFFFFB000  }
0x20: {  	v4 =	vld [tilespmem:s0+$0x0]  }
0x21: {  	v5 =	vld [tilespmem:s0+$0x5000]  }
0x22: {  	v6 =	vld [tilespmem:s0+$0x10]  }
0x23: {  	v7 =	vld [tilespmem:s0+$0x5010]  }
0x24: {  	v8 =	vld [tilespmem:s0+$0x20]  }
0x25: {  	v9 =	vld [tilespmem:s0+$0x5020];
	v4 =	vadd.s32 v1, v4  }
0x26: {  	v10 =	vld [tilespmem:s0+$0x30];
	[tilespmem:s0+$0x0] =	vst v4;
	v4 =	vadd.s32 v1, v5  }
0x27: {  	[tilespmem:s0+$0x5000] =	vst v4;
	v4 =	vadd.s32 v1, v6;
	v6 =	vld [tilespmem:s0+$0x5030]  }
0x28: {  	[tilespmem:s0+$0x10] =	vst v4;
	v4 =	vadd.s32 v1, v7;
	v7 =	vld [tilespmem:s0+$0x40]  }
0x29: {  	[tilespmem:s0+$0x5010] =	vst v4;
	v4 =	vadd.s32 v1, v8;
	v8 =	vld [tilespmem:s0+$0x5040]  }
0x2a: {  	v5 =	vld [tilespmem:s0+$0x50];
	[tilespmem:s0+$0x20] =	vst v4;
	v4 =	vadd.s32 v1, v9  }
0x2b: {  	v9 =	vadd.s32 v1, v10;
	[tilespmem:s0+$0x5020] =	vst v4;
	v4 =	vld [tilespmem:s0+$0x5050]  }
0x2c: {  	[tilespmem:s0+$0x30] =	vst v9;
	v9 =	vadd.s32 v1, v6;
	v6 =	vld [tilespmem:s0+$0x60]  }
0x2d: {  	[tilespmem:s0+$0x5030] =	vst v9;
	v9 =	vadd.s32 v1, v7;
	v7 =	vld [tilespmem:s0+$0x5060]  }
0x2e: {  	s1 =	simm.s32 $0x200;
	[tilespmem:s0+$0x40] =	vst v9;
	v9 =	vadd.s32 v1, v8;
	v8 =	vld [tilespmem:s0+$0x70]  }
.LBB2_2:
0x2f: {  	s4 =	sshra.s32 s1, $0x2;
	p1 =	sne.s32 s1, $0x13E00;
	[tilespmem:s0+$0x5040] =	vst v9;
	v5 =	vadd.s32 v1, v5;
	v9 =	vld [tilespmem:s0+$0x5070]  }
0x30: {  	v10 =	vld [tilespmem:s4+$0x0];
	[tilespmem:s0+$0x50] =	vst v5;
	v4 =	vadd.s32 v1, v4  }
0x31: {  	v5 =	vld [tilespmem:s4+$0x5000];
	[tilespmem:s0+$0x5050] =	vst v4;
	v4 =	vadd.s32 v1, v6  }
0x32: {  	v6 =	vld [tilespmem:s4+$0x10];
	[tilespmem:s0+$0x60] =	vst v4;
	v4 =	vadd.s32 v1, v7  }
0x33: {  	v7 =	vld [tilespmem:s4+$0x5010];
	[tilespmem:s0+$0x5060] =	vst v4;
	v4 =	vadd.s32 v1, v8  }
0x34: {  	v8 =	vld [tilespmem:s4+$0x20];
	[tilespmem:s0+$0x70] =	vst v4;
	v4 =	vadd.s32 v1, v9  }
0x35: {  	v9 =	vadd.s32 v1, v10;
	v10 =	vld [tilespmem:s4+$0x5020];
	[tilespmem:s0+$0x5070] =	vst v4;
	s0 =	smov.u32 s4  }
0x36: {  	[tilespmem:s0+$0x0] =	vst v9;
	v4 =	vadd.s32 v1, v5;
	v9 =	vld [tilespmem:s0+$0x30]  }
0x37: {  	[tilespmem:s0+$0x5000] =	vst v4;
	v4 =	vadd.s32 v1, v6;
	v6 =	vld [tilespmem:s0+$0x5030]  }
0x38: {  	[tilespmem:s0+$0x10] =	vst v4;
	v4 =	vadd.s32 v1, v7;
	v7 =	vld [tilespmem:s0+$0x40]  }
0x39: {  	[tilespmem:s0+$0x5010] =	vst v4;
	v4 =	vadd.s32 v1, v8;
	v8 =	vld [tilespmem:s0+$0x5040]  }
.Ltmp0:
0x3a: {  	[tilespmem:s0+$0x20] =	vst v4;
	v4 =	vadd.s32 v1, v10;
	v5 =	vld [tilespmem:s0+$0x50];
	(pc) =	sbr.rel @p1 .LBB2_2-.Ltmp0, $4  }
0x3b: {  	[tilespmem:s0+$0x5020] =	vst v4;
	v9 =	vadd.s32 v1, v9;
	v4 =	vld [tilespmem:s0+$0x5050]  }
0x3c: {  	[tilespmem:s0+$0x30] =	vst v9;
	v9 =	vadd.s32 v1, v6;
	v6 =	vld [tilespmem:s0+$0x60]  }
0x3d: {  	[tilespmem:s0+$0x5030] =	vst v9;
	v9 =	vadd.s32 v1, v7;
	v7 =	vld [tilespmem:s0+$0x5060]  }
0x3e: {  	s1 =	sadd.s32 $0x200, s1;
	[tilespmem:s0+$0x40] =	vst v9;
	v9 =	vadd.s32 v1, v8;
	v8 =	vld [tilespmem:s0+$0x70]  }
0x3f: {  	[tilespmem:s0+$0x5040] =	vst v9;
	v5 =	vadd.s32 v1, v5;
	v63 =	vld [tilespmem:s0+$0x5070]  }
0x40: {  	[tilespmem:s0+$0x50] =	vst v5;
	v4 =	vadd.s32 v1, v4  }
0x41: {  	[tilespmem:s0+$0x5050] =	vst v4;
	v4 =	vadd.s32 v1, v6  }
0x42: {  	[tilespmem:s0+$0x60] =	vst v4;
	v4 =	vadd.s32 v1, v7  }
0x43: {  	[tilespmem:s0+$0x5060] =	vst v4;
	v4 =	vadd.s32 v1, v8  }
0x44: {  	[tilespmem:s0+$0x70] =	vst v4;
	v4 =	vadd.s32 v1, v63  }
0x45: {  	[tilespmem:s0+$0x5070] =	vst v4;
	s0 =	simm.s32 $0x13020  }
0x46: {  	[tilespmem:s0+$0x0] =	vst v0  }
0x47: {  	[tilespmem:s0+$0xFFFFFFE0] =	vst v0  }
0x48: {  	[tilespmem:s0+$0x10] =	vst v0  }
0x49: {  	s1 =	simm.s32 $0x40;
	s4 =	simm.s32 $0x0;
	[tilespmem:s0+$0xFFFFFFF0] =	vst v0  }
.LBB2_4:
0x4a: {  	p1 =	sne.s32 s1, $0x1FC0  }
0x4b: {  	[tilespmem:s4+$0x15000] =	vst v0;
	s0 =	sadd.s32 $0x40, s0;
	s4 =	smov.u32 s1;
	s1 =	sadd.s32 $0x40, s1  }
.Ltmp1:
0x4c: {  	[tilespmem:s0+$0x0] =	vst v0;
	(pc) =	sbr.rel @p1 .LBB2_4-.Ltmp1, $4  }
0x4d: {  	_ = 	snop  }
0x4e: {  	[tilespmem:s0+$0xFFFFFFE0] =	vst v0  }
0x4f: {  	[tilespmem:s0+$0x10] =	vst v0  }
0x50: {  	s4 =	sshra.s32 s4, $0x2;
	[tilespmem:s0+$0xFFFFFFF0] =	vst v0  }
0x51: {  	[tilespmem:s4+$0x15000] =	vst v0  }
0x52: {  	[spmem:s9] =	stream.linear.scatter [tilespmem:s22], [sflag:$0x2], $0x2000, $0x38;
	[tilespmem:$0x1BC00] =	vst v63  }
0x53: {  	_ =	swait.ge [sflag:s20], $0x2000  }
0x54: {  	[sflag:s20] =	ssyncset.done $0x0  }
0x55: {  	[sflag:s20] =	ssyncadd.s32 $0xFFFFE000  }
0x56: {  	[spmem:s10] =	stream.linear.scatter [tilespmem:s23], [sflag:$0x2], $0x800, $0x38;
	[tilespmem:$0x1BC00] =	vst v63  }
0x57: {  	_ =	swait.ge [sflag:s20], $0x800  }
0x58: {  	[sflag:s20] =	ssyncset.done $0x0  }
0x59: {  	[sflag:s20] =	ssyncadd.s32 $0xFFFFF800  }
0x5a: {  	[spmem:s11] =	stream.linear.scatter [tilespmem:s22], [sflag:$0x2], $0x2000, $0x38;
	[tilespmem:$0x1BC00] =	vst v63  }
0x5b: {  	_ =	swait.ge [sflag:s20], $0x2000  }
0x5c: {  	[sflag:s20] =	ssyncset.done $0x0  }
0x5d: {  	[sflag:s20] =	ssyncadd.s32 $0xFFFFE000  }
0x5e: {  	[spmem:s12] =	stream.linear.scatter [tilespmem:s23], [sflag:$0x2], $0x800, $0x38;
	[tilespmem:$0x1BC00] =	vst v63  }
0x5f: {  	_ =	swait.ge [sflag:s20], $0x800  }
0x60: {  	[sflag:s20] =	ssyncset.done $0x0  }
0x61: {  	[sflag:s20] =	ssyncadd.s32 $0xFFFFF800  }
0x62: {  	[spmem:s13] =	stream.linear.scatter [tilespmem:s22], [sflag:$0x2], $0x1000, $0x38;
	[tilespmem:$0x1BC00] =	vst v63  }
0x63: {  	_ =	swait.ge [sflag:s20], $0x1000  }
0x64: {  	[sflag:s20] =	ssyncset.done $0x0  }
0x65: {  	[sflag:s20] =	ssyncadd.s32 $0xFFFFF000  }
0x66: {  	[spmem:s14] =	stream.linear.scatter [tilespmem:s23], [sflag:$0x2], $0x400, $0x38;
	[tilespmem:$0x1BC00] =	vst v63  }
0x67: {  	_ =	swait.ge [sflag:s20], $0x400  }
0x68: {  	[sflag:s20] =	ssyncset.done $0x0  }
0x69: {  	s0 =	simm.s32 $0x40;
	s1 =	simm.s32 $0x0;
	[sflag:s20] =	ssyncadd.s32 $0xFFFFFC00  }
.LBB2_6:
0x6a: {  	p1 =	sne.s32 s0, $0x1FC0;
	[tilespmem:s1+$0x15000] =	vst v3;
	s1 =	smov.u32 s0;
	s0 =	sadd.s32 $0x40, s0  }
.Ltmp2:
0x6b: {  	(pc) =	sbr.rel @p1 .LBB2_6-.Ltmp2, $2  }
0x6c: {  	_ =	sdelay $0x2  }
0x6d: {  	s1 =	sshra.s32 s1, $0x2  }
0x6e: {  	[tilespmem:s1+$0x15000] =	vst v3;
	s1 =	simm.s32 $0x0  }
0x6f: {  	v4 =	vld [tilespmem:s1+$0x5070]  }
0x70: {  	v6 =	vld [tilespmem:s1+$0x5000]  }
0x71: {  	v10 =	vld [tilespmem:s1+$0x5010]  }
0x72: {  	v8 =	vld [tilespmem:s1+$0x5020]  }
0x73: {  	v7 =	vld [tilespmem:s1+$0x5030]  }
0x74: {  	v5 =	vld [tilespmem:s1+$0x5040];
	v9 =	vsub.s32 v4, v1  }
0x75: {  	v4 =	vld [tilespmem:s1+$0x5050];
	v11 =	vsub.s32 v6, v1;
	v12 =	vmin.u32 v9, $0x1388  }
0x76: {  	s0 =	simm.s32 $0x80;
	s4 =	simm.s32 $0x400;
	v6 =	vld [tilespmem:s1+$0x5060];
	v10 =	vsub.s32 v10, v1;
	v9 =	vmin.u32 v11, $0x1388;
	[tilespmem:s1+$0xA070] =	vst v12  }
.LBB2_8:
0x77: {  	p1 =	sne.s32 s4, $0x13E00;
	v11 =	vld [tilespmem:s0+$0x5070];
	[tilespmem:s1+$0xA000] =	vst v9;
	v9 =	vmin.u32 v10, $0x1388;
	v8 =	vsub.s32 v8, v1  }
0x78: {  	v10 =	vld [tilespmem:s0+$0x5000];
	[tilespmem:s1+$0xA010] =	vst v9;
	v8 =	vmin.u32 v8, $0x1388;
	v7 =	vsub.s32 v7, v1  }
0x79: {  	v12 =	vld [tilespmem:s0+$0x5010];
	[tilespmem:s1+$0xA020] =	vst v8;
	v7 =	vmin.u32 v7, $0x1388;
	v5 =	vsub.s32 v5, v1  }
.Ltmp3:
0x7a: {  	v8 =	vld [tilespmem:s0+$0x5020];
	[tilespmem:s1+$0xA030] =	vst v7;
	v5 =	vmin.u32 v5, $0x1388;
	v4 =	vsub.s32 v4, v1;
	(pc) =	sbr.rel @p1 .LBB2_8-.Ltmp3, $4  }
0x7b: {  	v7 =	vld [tilespmem:s0+$0x5030];
	[tilespmem:s1+$0xA040] =	vst v5;
	v4 =	vmin.u32 v4, $0x1388;
	v6 =	vsub.s32 v6, v1  }
0x7c: {  	v5 =	vld [tilespmem:s0+$0x5040];
	v9 =	vsub.s32 v11, v1;
	[tilespmem:s1+$0xA050] =	vst v4;
	v6 =	vmin.u32 v6, $0x1388  }
0x7d: {  	v10 =	vsub.s32 v10, v1;
	v4 =	vld [tilespmem:s0+$0x5050];
	v11 =	vmin.u32 v9, $0x1388;
	[tilespmem:s1+$0xA060] =	vst v6;
	s1 =	smov.u32 s0  }
0x7e: {  	s0 =	sshra.s32 s4, $0x2;
	s4 =	sadd.s32 $0x200, s4;
	v9 =	vmin.u32 v10, $0x1388;
	v10 =	vsub.s32 v12, v1;
	v6 =	vld [tilespmem:s1+$0x5060];
	[tilespmem:s1+$0xA070] =	vst v11  }
0x7f: {  	v11 =	vld [tilespmem:s0+$0x5070];
	[tilespmem:s1+$0xA000] =	vst v9;
	v59 =	vmin.u32 v10, $0x1388;
	v8 =	vsub.s32 v8, v1  }
0x80: {  	v60 =	vld [tilespmem:s0+$0x5000];
	[tilespmem:s1+$0xA010] =	vst v59;
	v8 =	vmin.u32 v8, $0x1388;
	v7 =	vsub.s32 v7, v1  }
0x81: {  	v9 =	vld [tilespmem:s0+$0x5010];
	[tilespmem:s1+$0xA020] =	vst v8;
	v7 =	vmin.u32 v7, $0x1388;
	v5 =	vsub.s32 v5, v1  }
0x82: {  	v8 =	vld [tilespmem:s0+$0x5020];
	[tilespmem:s1+$0xA030] =	vst v7;
	v5 =	vmin.u32 v5, $0x1388;
	v4 =	vsub.s32 v4, v1  }
0x83: {  	v7 =	vld [tilespmem:s0+$0x5030];
	[tilespmem:s1+$0xA040] =	vst v5;
	v4 =	vmin.u32 v4, $0x1388;
	v6 =	vsub.s32 v6, v1  }
0x84: {  	v5 =	vld [tilespmem:s0+$0x5040];
	[tilespmem:s1+$0xA050] =	vst v4;
	v4 =	vmin.u32 v6, $0x1388;
	v11 =	vsub.s32 v11, v1  }
0x85: {  	v61 =	vld [tilespmem:s0+$0x5050];
	[tilespmem:s1+$0xA060] =	vst v4;
	v4 =	vsub.s32 v60, v1;
	v62 =	vmin.u32 v11, $0x1388  }
0x86: {  	v63 =	vld [tilespmem:s0+$0x5060];
	v4 =	vmin.u32 v4, $0x1388;
	v9 =	vsub.s32 v9, v1;
	[tilespmem:s0+$0xA070] =	vst v62  }
0x87: {  	[tilespmem:s0+$0xA000] =	vst v4;
	v4 =	vmin.u32 v9, $0x1388;
	v8 =	vsub.s32 v8, v1  }
0x88: {  	[tilespmem:s0+$0xA010] =	vst v4;
	v4 =	vmin.u32 v8, $0x1388;
	v7 =	vsub.s32 v7, v1  }
0x89: {  	[tilespmem:s0+$0xA020] =	vst v4;
	v4 =	vmin.u32 v7, $0x1388;
	v5 =	vsub.s32 v5, v1  }
0x8a: {  	[tilespmem:s0+$0xA030] =	vst v4;
	v4 =	vmin.u32 v5, $0x1388;
	v5 =	vsub.s32 v61, v1  }
0x8b: {  	[tilespmem:s0+$0xA040] =	vst v4;
	v4 =	vmin.u32 v5, $0x1388;
	v5 =	vsub.s32 v63, v1  }
0x8c: {  	[tilespmem:s0+$0xA050] =	vst v4;
	v4 =	vmin.u32 v5, $0x1388  }
0x8d: {  	[tilespmem:s0+$0xA060] =	vst v4  }
0x8e: {  	s0 =	simm.s32 $0x0;
	[bflag:$0x0] =	sbarrier.arrive $0xFFFF  }
.LBB2_10:
0x8f: {  	s1 =	sshll.u32 s0, $0x7  }
0x90: {  	[tilespmem:s25], [sflag:$0x1] =	stream.indirect.gather [hbm4b:s5+s24], $0x40, s1, s24, $0xb8;
	[tilespmem:$0x1BC00] =	vst v63  }
0x91: {  	_ =	swait.ge [sflag:s26], $0x2000  }
0x92: {  	[sflag:s26] =	ssyncset.done $0x0  }
0x93: {  	s4 =	sadd.s32 $0x5000, s1;
	[sflag:s26] =	ssyncadd.s32 $0xFFFFE000  }
0x94: {  	[tilespmem:s28], [sflag:$0x1] =	stream.indirect.gather [hbm4b:s6+s24], $0x40, s4, s24, $0xb8;
	[tilespmem:$0x1BC00] =	vst v63  }
0x95: {  	_ =	swait.ge [sflag:s26], $0x2000  }
0x96: {  	[sflag:s26] =	ssyncset.done $0x0  }
0x97: {  	s7 =	simm.s32 $0x0;
	[sflag:s26] =	ssyncadd.s32 $0xFFFFE000  }
0x98: {  	v6 =	vld [tilespmem:s7+$0xF030]  }
0x99: {  	v7 =	vld [tilespmem:s7+$0x11030]  }
0x9a: {  	v9 =	vld [tilespmem:s7+$0xF000]  }
0x9b: {  	v10 =	vld [tilespmem:s7+$0x11000]  }
0x9c: {  	v5 =	vld [tilespmem:s7+$0xF010]  }
0x9d: {  	v8 =	vld [tilespmem:s7+$0x11010]  }
0x9e: {  	v4 =	vld [tilespmem:s7+$0xF020];
	v11 =	vadd.f32 v7, v6  }
0x9f: {  	s4 =	simm.s32 $0x40;
	v7 =	vld [tilespmem:s7+$0x11020]  }
0xa0: {  	s8 =	simm.s32 $0x200;
	v6 =	vld [tilespmem:s4+$0xF030];
	v9 =	vadd.f32 v10, v9;
	v10 =	vmax.f32 v11, $0.0e+00  }
.LBB2_11:
0xa1: {  	p1 =	sne.s32 s8, $0x7F00;
	v11 =	vld [tilespmem:s4+$0x11030];
	[tilespmem:s7+$0x13030] =	vst v10  }
0xa2: {  	v10 =	vld [tilespmem:s4+$0xF000];
	v9 =	vmax.f32 v9, $0.0e+00;
	v8 =	vadd.f32 v8, v5  }
0xa3: {  	v12 =	vld [tilespmem:s4+$0x11000];
	[tilespmem:s7+$0x13000] =	vst v9  }
.Ltmp4:
0xa4: {  	v5 =	vld [tilespmem:s4+$0xF010];
	v9 =	vmax.f32 v8, $0.0e+00;
	v7 =	vadd.f32 v7, v4;
	(pc) =	sbr.rel @p1 .LBB2_11-.Ltmp4, $4  }
0xa5: {  	v8 =	vld [tilespmem:s4+$0x11010];
	[tilespmem:s7+$0x13010] =	vst v9  }
0xa6: {  	v4 =	vld [tilespmem:s4+$0xF020];
	v11 =	vadd.f32 v11, v6;
	v6 =	vmax.f32 v7, $0.0e+00  }
0xa7: {  	v7 =	vld [tilespmem:s4+$0x11020];
	[tilespmem:s7+$0x13020] =	vst v6;
	s7 =	smov.u32 s4;
	s4 =	sshra.s32 s8, $0x2  }
0xa8: {  	s8 =	sadd.s32 $0x100, s8;
	v6 =	vld [tilespmem:s4+$0xF030];
	v9 =	vadd.f32 v12, v10;
	v10 =	vmax.f32 v11, $0.0e+00  }
0xa9: {  	v11 =	vld [tilespmem:s4+$0x11030];
	[tilespmem:s7+$0x13030] =	vst v10  }
0xaa: {  	v10 =	vld [tilespmem:s4+$0xF000];
	v9 =	vmax.f32 v9, $0.0e+00;
	v5 =	vadd.f32 v8, v5  }
0xab: {  	v12 =	vld [tilespmem:s4+$0x11000];
	[tilespmem:s7+$0x13000] =	vst v9  }
0xac: {  	v61 =	vld [tilespmem:s4+$0xF010];
	v5 =	vmax.f32 v5, $0.0e+00  }
0xad: {  	v9 =	vld [tilespmem:s4+$0x11010];
	[tilespmem:s7+$0x13010] =	vst v5  }
0xae: {  	v5 =	vld [tilespmem:s4+$0xF020]  }
0xaf: {  	v13 =	vld [tilespmem:s4+$0x11020]  }
0xb0: {  	v4 =	vadd.f32 v7, v4  }
0xb1: {  	v6 =	vadd.f32 v11, v6  }
0xb2: {  	v4 =	vmax.f32 v4, $0.0e+00;
	v62 =	vadd.f32 v12, v10  }
0xb3: {  	[tilespmem:s7+$0x13020] =	vst v4;
	v4 =	vmax.f32 v6, $0.0e+00;
	v63 =	vadd.f32 v9, v61  }
0xb4: {  	[tilespmem:s4+$0x13030] =	vst v4;
	v4 =	vmax.f32 v62, $0.0e+00;
	v5 =	vadd.f32 v13, v5  }
0xb5: {  	[tilespmem:s4+$0x13000] =	vst v4;
	v4 =	vmax.f32 v63, $0.0e+00  }
0xb6: {  	[tilespmem:s4+$0x13010] =	vst v4;
	v4 =	vmax.f32 v5, $0.0e+00  }
0xb7: {  	s1 =	sadd.s32 $0xA000, s1;
	[tilespmem:s4+$0x13020] =	vst v4  }
0xb8: {  	[spmem:s2] =	stream.indirect.scatter.add.f32 [tilespmem:s22], [sflag:$0x3], $0x40, s1, s24, $0xb8;
	[tilespmem:$0x1BC00] =	vst v63  }
0xb9: {  	s0 =	sadd.s32 $0x1, s0;
	_ =	swait.ge [sflag:s29], $0x2000  }
0xba: {  	p1 =	sne.s32 s0, $0xA0;
	[sflag:s29] =	ssyncset.done $0x0  }
0xbb: {  	s7 =	simm.s32 @!p0 $0x15000;
	s4 =	simm.s32 @!p0 $0x80;
	[sflag:s29] =	ssyncadd.s32 $0xFFFFE000  }
0xbc: {  	[spmem:s3] =	stream.indirect.scatter.add.f32 @!p0 [tilespmem:s7], [sflag:$0x2], $0x10, s1, s4, $0xb8;
	[tilespmem:$0x1BC00] =	vst v63  }
.Ltmp5:
0xbd: {  	_ = 	snop;
	(pc) =	sbr.rel @p1 .LBB2_10-.Ltmp5, $4  }
0xbe: {  	s1 =	simm.s32 @!p0 $0x2  }
0xbf: {  	_ =	swait.ge @!p0 [sflag:s1], $0x800  }
0xc0: {  	[sflag:s1] =	ssyncset.done @!p0 $0x0  }
0xc1: {  	[sflag:s1] =	ssyncadd.s32 @!p0 $0xFFFFF800  }
0xc2: {  	s0 =	stileid.u32  }
0xc3: {  	[bflag:$0x0] =	sbarrier.arrive $0xFFFF;
	s0 =	sshll.u32 s0, $0x6  }
0xc4: {  	s4 =	rddreg [dreg:$0x7];
	s31 =	sor.u32 $0x1C02, s0;
	s0 =	sshrl.u32 s9, $0x3  }
0xc5: {  	[hbm:s4], [sflag:s31] =	dma.local [spmem:s0], $0xA00  }
0xc6: {  	_ =	swait.ge [sflag:s20], $0xA00  }
0xc7: {  	[sflag:s20] =	ssyncset.done $0x0  }
0xc8: {  	s21 =	sshrl.u32 @!p0 s10, $0x3;
	[sflag:s20] =	ssyncadd.s32 $0xFFFFF600  }
0xc9: {  	[hbm:s16], [sflag:s31] =	dma.local @!p0 [spmem:s21], $0x280  }
0xca: {  	_ =	swait.ge @!p0 [sflag:s1], $0x280  }
0xcb: {  	[sflag:s1] =	ssyncset.done @!p0 $0x0  }
0xcc: {  	[sflag:s1] =	ssyncadd.s32 @!p0 $0xFFFFFD80  }
0xcd: {  	s1 =	simm.s32 $0x13020;
	[bflag:$0x0] =	sbarrier.arrive $0xFFFF  }
0xce: {  	[tilespmem:s1+$0x0] =	vst v0  }
0xcf: {  	[tilespmem:s1+$0xFFFFFFE0] =	vst v0  }
0xd0: {  	[tilespmem:s1+$0x10] =	vst v0  }
0xd1: {  	s7 =	simm.s32 $0x0;
	s4 =	simm.s32 $0x40;
	[tilespmem:s1+$0xFFFFFFF0] =	vst v0  }
.LBB2_14:
0xd2: {  	p1 =	sne.s32 s4, $0x1FC0  }
0xd3: {  	[tilespmem:s7+$0x15000] =	vst v0;
	s1 =	sadd.s32 $0x40, s1;
	s7 =	smov.u32 s4;
	s4 =	sadd.s32 $0x40, s4  }
.Ltmp6:
0xd4: {  	[tilespmem:s1+$0x0] =	vst v0;
	(pc) =	sbr.rel @p1 .LBB2_14-.Ltmp6, $4  }
0xd5: {  	_ = 	snop  }
0xd6: {  	[tilespmem:s1+$0xFFFFFFE0] =	vst v0  }
0xd7: {  	[tilespmem:s1+$0x10] =	vst v0  }
0xd8: {  	s7 =	sshra.s32 s7, $0x2;
	[tilespmem:s1+$0xFFFFFFF0] =	vst v0  }
0xd9: {  	[tilespmem:s7+$0x15000] =	vst v0  }
0xda: {  	[spmem:s9] =	stream.linear.scatter [tilespmem:s22], [sflag:$0x2], $0x2000, $0x38;
	[tilespmem:$0x1BC00] =	vst v63  }
0xdb: {  	_ =	swait.ge [sflag:s20], $0x2000  }
0xdc: {  	[sflag:s20] =	ssyncset.done $0x0  }
0xdd: {  	[sflag:s20] =	ssyncadd.s32 $0xFFFFE000  }
0xde: {  	[spmem:s10] =	stream.linear.scatter [tilespmem:s23], [sflag:$0x2], $0x800, $0x38;
	[tilespmem:$0x1BC00] =	vst v63  }
0xdf: {  	_ =	swait.ge [sflag:s20], $0x800  }
0xe0: {  	[sflag:s20] =	ssyncset.done $0x0  }
0xe1: {  	[sflag:s20] =	ssyncadd.s32 $0xFFFFF800  }
0xe2: {  	[spmem:s11] =	stream.linear.scatter [tilespmem:s22], [sflag:$0x2], $0x2000, $0x38;
	[tilespmem:$0x1BC00] =	vst v63  }
0xe3: {  	_ =	swait.ge [sflag:s20], $0x2000  }
0xe4: {  	[sflag:s20] =	ssyncset.done $0x0  }
0xe5: {  	[sflag:s20] =	ssyncadd.s32 $0xFFFFE000  }
0xe6: {  	[spmem:s12] =	stream.linear.scatter [tilespmem:s23], [sflag:$0x2], $0x800, $0x38;
	[tilespmem:$0x1BC00] =	vst v63  }
0xe7: {  	_ =	swait.ge [sflag:s20], $0x800  }
0xe8: {  	[sflag:s20] =	ssyncset.done $0x0  }
0xe9: {  	[sflag:s20] =	ssyncadd.s32 $0xFFFFF800  }
0xea: {  	[spmem:s13] =	stream.linear.scatter [tilespmem:s22], [sflag:$0x2], $0x1000, $0x38;
	[tilespmem:$0x1BC00] =	vst v63  }
0xeb: {  	_ =	swait.ge [sflag:s20], $0x1000  }
0xec: {  	[sflag:s20] =	ssyncset.done $0x0  }
0xed: {  	[sflag:s20] =	ssyncadd.s32 $0xFFFFF000  }
0xee: {  	[spmem:s14] =	stream.linear.scatter [tilespmem:s23], [sflag:$0x2], $0x400, $0x38;
	[tilespmem:$0x1BC00] =	vst v63  }
0xef: {  	_ =	swait.ge [sflag:s20], $0x400  }
0xf0: {  	[sflag:s20] =	ssyncset.done $0x0  }
0xf1: {  	s1 =	simm.s32 $0x40;
	s4 =	simm.s32 $0x0;
	[sflag:s20] =	ssyncadd.s32 $0xFFFFFC00  }
.LBB2_16:
0xf2: {  	p1 =	sne.s32 s1, $0x1FC0;
	[tilespmem:s4+$0x15000] =	vst v3;
	s4 =	smov.u32 s1;
	s1 =	sadd.s32 $0x40, s1  }
.Ltmp7:
0xf3: {  	(pc) =	sbr.rel @p1 .LBB2_16-.Ltmp7, $2  }
0xf4: {  	_ =	sdelay $0x2  }
0xf5: {  	s4 =	sshra.s32 s4, $0x2  }
0xf6: {  	[tilespmem:s4+$0x15000] =	vst v3;
	s4 =	simm.s32 $0x0  }
0xf7: {  	v4 =	vld [tilespmem:s4+$0x5070]  }
0xf8: {  	v6 =	vld [tilespmem:s4+$0x5000]  }
0xf9: {  	v10 =	vld [tilespmem:s4+$0x5010]  }
0xfa: {  	v8 =	vld [tilespmem:s4+$0x5020]  }
0xfb: {  	v7 =	vld [tilespmem:s4+$0x5030]  }
0xfc: {  	v5 =	vld [tilespmem:s4+$0x5040];
	v9 =	vsub.s32 v4, v2  }
0xfd: {  	v4 =	vld [tilespmem:s4+$0x5050];
	v11 =	vsub.s32 v6, v2;
	v12 =	vmin.u32 v9, $0x1388  }
0xfe: {  	s1 =	simm.s32 $0x80;
	s7 =	simm.s32 $0x400;
	v6 =	vld [tilespmem:s4+$0x5060];
	v10 =	vsub.s32 v10, v2;
	v9 =	vmin.u32 v11, $0x1388;
	[tilespmem:s4+$0xA070] =	vst v12  }
.LBB2_18:
0xff: {  	p1 =	sne.s32 s7, $0x13E00;
	v11 =	vld [tilespmem:s1+$0x5070];
	[tilespmem:s4+$0xA000] =	vst v9;
	v9 =	vmin.u32 v10, $0x1388;
	v8 =	vsub.s32 v8, v2  }
0x100: {  	v10 =	vld [tilespmem:s1+$0x5000];
	[tilespmem:s4+$0xA010] =	vst v9;
	v8 =	vmin.u32 v8, $0x1388;
	v7 =	vsub.s32 v7, v2  }
0x101: {  	v12 =	vld [tilespmem:s1+$0x5010];
	[tilespmem:s4+$0xA020] =	vst v8;
	v7 =	vmin.u32 v7, $0x1388;
	v5 =	vsub.s32 v5, v2  }
.Ltmp8:
0x102: {  	v8 =	vld [tilespmem:s1+$0x5020];
	[tilespmem:s4+$0xA030] =	vst v7;
	v5 =	vmin.u32 v5, $0x1388;
	v4 =	vsub.s32 v4, v2;
	(pc) =	sbr.rel @p1 .LBB2_18-.Ltmp8, $4  }
0x103: {  	v7 =	vld [tilespmem:s1+$0x5030];
	[tilespmem:s4+$0xA040] =	vst v5;
	v4 =	vmin.u32 v4, $0x1388;
	v6 =	vsub.s32 v6, v2  }
0x104: {  	v5 =	vld [tilespmem:s1+$0x5040];
	v9 =	vsub.s32 v11, v2;
	[tilespmem:s4+$0xA050] =	vst v4;
	v6 =	vmin.u32 v6, $0x1388  }
0x105: {  	v10 =	vsub.s32 v10, v2;
	v4 =	vld [tilespmem:s1+$0x5050];
	v11 =	vmin.u32 v9, $0x1388;
	[tilespmem:s4+$0xA060] =	vst v6;
	s4 =	smov.u32 s1  }
0x106: {  	s1 =	sshra.s32 s7, $0x2;
	s7 =	sadd.s32 $0x200, s7;
	v9 =	vmin.u32 v10, $0x1388;
	v10 =	vsub.s32 v12, v2;
	v6 =	vld [tilespmem:s4+$0x5060];
	[tilespmem:s4+$0xA070] =	vst v11  }
0x107: {  	v11 =	vld [tilespmem:s1+$0x5070];
	[tilespmem:s4+$0xA000] =	vst v9;
	v59 =	vmin.u32 v10, $0x1388;
	v8 =	vsub.s32 v8, v2  }
0x108: {  	v60 =	vld [tilespmem:s1+$0x5000];
	[tilespmem:s4+$0xA010] =	vst v59;
	v8 =	vmin.u32 v8, $0x1388;
	v7 =	vsub.s32 v7, v2  }
0x109: {  	v9 =	vld [tilespmem:s1+$0x5010];
	[tilespmem:s4+$0xA020] =	vst v8;
	v7 =	vmin.u32 v7, $0x1388;
	v5 =	vsub.s32 v5, v2  }
0x10a: {  	v8 =	vld [tilespmem:s1+$0x5020];
	[tilespmem:s4+$0xA030] =	vst v7;
	v5 =	vmin.u32 v5, $0x1388;
	v4 =	vsub.s32 v4, v2  }
0x10b: {  	v7 =	vld [tilespmem:s1+$0x5030];
	[tilespmem:s4+$0xA040] =	vst v5;
	v4 =	vmin.u32 v4, $0x1388;
	v6 =	vsub.s32 v6, v2  }
0x10c: {  	v5 =	vld [tilespmem:s1+$0x5040];
	[tilespmem:s4+$0xA050] =	vst v4;
	v4 =	vmin.u32 v6, $0x1388;
	v11 =	vsub.s32 v11, v2  }
0x10d: {  	v61 =	vld [tilespmem:s1+$0x5050];
	[tilespmem:s4+$0xA060] =	vst v4;
	v4 =	vsub.s32 v60, v2;
	v62 =	vmin.u32 v11, $0x1388  }
0x10e: {  	v63 =	vld [tilespmem:s1+$0x5060];
	v4 =	vmin.u32 v4, $0x1388;
	v9 =	vsub.s32 v9, v2;
	[tilespmem:s1+$0xA070] =	vst v62  }
0x10f: {  	[tilespmem:s1+$0xA000] =	vst v4;
	v4 =	vmin.u32 v9, $0x1388;
	v8 =	vsub.s32 v8, v2  }
0x110: {  	[tilespmem:s1+$0xA010] =	vst v4;
	v4 =	vmin.u32 v8, $0x1388;
	v7 =	vsub.s32 v7, v2  }
0x111: {  	[tilespmem:s1+$0xA020] =	vst v4;
	v4 =	vmin.u32 v7, $0x1388;
	v5 =	vsub.s32 v5, v2  }
0x112: {  	[tilespmem:s1+$0xA030] =	vst v4;
	v4 =	vmin.u32 v5, $0x1388;
	v5 =	vsub.s32 v61, v2  }
0x113: {  	[tilespmem:s1+$0xA040] =	vst v4;
	v4 =	vmin.u32 v5, $0x1388;
	v5 =	vsub.s32 v63, v2  }
0x114: {  	[tilespmem:s1+$0xA050] =	vst v4;
	v4 =	vmin.u32 v5, $0x1388  }
0x115: {  	[tilespmem:s1+$0xA060] =	vst v4  }
0x116: {  	s1 =	simm.s32 $0x0;
	[bflag:$0x0] =	sbarrier.arrive $0xFFFF  }
.LBB2_20:
0x117: {  	s4 =	sshll.u32 s1, $0x7  }
0x118: {  	[tilespmem:s25], [sflag:$0x1] =	stream.indirect.gather [hbm4b:s5+s24], $0x40, s4, s24, $0xb8;
	[tilespmem:$0x1BC00] =	vst v63  }
0x119: {  	_ =	swait.ge [sflag:s26], $0x2000  }
0x11a: {  	[sflag:s26] =	ssyncset.done $0x0  }
0x11b: {  	s7 =	sadd.s32 $0x5000, s4;
	[sflag:s26] =	ssyncadd.s32 $0xFFFFE000  }
0x11c: {  	[tilespmem:s28], [sflag:$0x1] =	stream.indirect.gather [hbm4b:s6+s24], $0x40, s7, s24, $0xb8;
	[tilespmem:$0x1BC00] =	vst v63  }
0x11d: {  	_ =	swait.ge [sflag:s26], $0x2000  }
0x11e: {  	[sflag:s26] =	ssyncset.done $0x0  }
0x11f: {  	s8 =	simm.s32 $0x0;
	[sflag:s26] =	ssyncadd.s32 $0xFFFFE000  }
0x120: {  	v6 =	vld [tilespmem:s8+$0xF030]  }
0x121: {  	v7 =	vld [tilespmem:s8+$0x11030]  }
0x122: {  	v9 =	vld [tilespmem:s8+$0xF000]  }
0x123: {  	v10 =	vld [tilespmem:s8+$0x11000]  }
0x124: {  	v5 =	vld [tilespmem:s8+$0xF010]  }
0x125: {  	v8 =	vld [tilespmem:s8+$0x11010]  }
0x126: {  	v4 =	vld [tilespmem:s8+$0xF020];
	v11 =	vadd.f32 v7, v6  }
0x127: {  	s7 =	simm.s32 $0x40;
	v7 =	vld [tilespmem:s8+$0x11020]  }
0x128: {  	s15 =	simm.s32 $0x200;
	v6 =	vld [tilespmem:s7+$0xF030];
	v9 =	vadd.f32 v10, v9;
	v10 =	vmax.f32 v11, $0.0e+00  }
.LBB2_21:
0x129: {  	p1 =	sne.s32 s15, $0x7F00;
	v11 =	vld [tilespmem:s7+$0x11030];
	[tilespmem:s8+$0x13030] =	vst v10  }
0x12a: {  	v10 =	vld [tilespmem:s7+$0xF000];
	v9 =	vmax.f32 v9, $0.0e+00;
	v8 =	vadd.f32 v8, v5  }
0x12b: {  	v12 =	vld [tilespmem:s7+$0x11000];
	[tilespmem:s8+$0x13000] =	vst v9  }
.Ltmp9:
0x12c: {  	v5 =	vld [tilespmem:s7+$0xF010];
	v9 =	vmax.f32 v8, $0.0e+00;
	v7 =	vadd.f32 v7, v4;
	(pc) =	sbr.rel @p1 .LBB2_21-.Ltmp9, $4  }
0x12d: {  	v8 =	vld [tilespmem:s7+$0x11010];
	[tilespmem:s8+$0x13010] =	vst v9  }
0x12e: {  	v4 =	vld [tilespmem:s7+$0xF020];
	v11 =	vadd.f32 v11, v6;
	v6 =	vmax.f32 v7, $0.0e+00  }
0x12f: {  	v7 =	vld [tilespmem:s7+$0x11020];
	[tilespmem:s8+$0x13020] =	vst v6;
	s8 =	smov.u32 s7;
	s7 =	sshra.s32 s15, $0x2  }
0x130: {  	s15 =	sadd.s32 $0x100, s15;
	v6 =	vld [tilespmem:s7+$0xF030];
	v9 =	vadd.f32 v12, v10;
	v10 =	vmax.f32 v11, $0.0e+00  }
0x131: {  	v11 =	vld [tilespmem:s7+$0x11030];
	[tilespmem:s8+$0x13030] =	vst v10  }
0x132: {  	v10 =	vld [tilespmem:s7+$0xF000];
	v9 =	vmax.f32 v9, $0.0e+00;
	v5 =	vadd.f32 v8, v5  }
0x133: {  	v12 =	vld [tilespmem:s7+$0x11000];
	[tilespmem:s8+$0x13000] =	vst v9  }
0x134: {  	v61 =	vld [tilespmem:s7+$0xF010];
	v5 =	vmax.f32 v5, $0.0e+00  }
0x135: {  	v9 =	vld [tilespmem:s7+$0x11010];
	[tilespmem:s8+$0x13010] =	vst v5  }
0x136: {  	v5 =	vld [tilespmem:s7+$0xF020]  }
0x137: {  	v13 =	vld [tilespmem:s7+$0x11020]  }
0x138: {  	v4 =	vadd.f32 v7, v4  }
0x139: {  	v6 =	vadd.f32 v11, v6  }
0x13a: {  	v4 =	vmax.f32 v4, $0.0e+00;
	v62 =	vadd.f32 v12, v10  }
0x13b: {  	[tilespmem:s8+$0x13020] =	vst v4;
	v4 =	vmax.f32 v6, $0.0e+00;
	v63 =	vadd.f32 v9, v61  }
0x13c: {  	[tilespmem:s7+$0x13030] =	vst v4;
	v4 =	vmax.f32 v62, $0.0e+00;
	v5 =	vadd.f32 v13, v5  }
0x13d: {  	[tilespmem:s7+$0x13000] =	vst v4;
	v4 =	vmax.f32 v63, $0.0e+00  }
0x13e: {  	[tilespmem:s7+$0x13010] =	vst v4;
	v4 =	vmax.f32 v5, $0.0e+00  }
0x13f: {  	s4 =	sadd.s32 $0xA000, s4;
	[tilespmem:s7+$0x13020] =	vst v4  }
0x140: {  	[spmem:s2] =	stream.indirect.scatter.add.f32 [tilespmem:s22], [sflag:$0x3], $0x40, s4, s24, $0xb8;
	[tilespmem:$0x1BC00] =	vst v63  }
0x141: {  	s1 =	sadd.s32 $0x1, s1;
	_ =	swait.ge [sflag:s29], $0x2000  }
0x142: {  	p1 =	sne.s32 s1, $0xA0;
	[sflag:s29] =	ssyncset.done $0x0  }
0x143: {  	s8 =	simm.s32 @!p0 $0x15000;
	s7 =	simm.s32 @!p0 $0x80;
	[sflag:s29] =	ssyncadd.s32 $0xFFFFE000  }
0x144: {  	[spmem:s3] =	stream.indirect.scatter.add.f32 @!p0 [tilespmem:s8], [sflag:$0x2], $0x10, s4, s7, $0xb8;
	[tilespmem:$0x1BC00] =	vst v63  }
.Ltmp10:
0x145: {  	_ = 	snop;
	(pc) =	sbr.rel @p1 .LBB2_20-.Ltmp10, $4  }
0x146: {  	s4 =	simm.s32 @!p0 $0x2  }
0x147: {  	_ =	swait.ge @!p0 [sflag:s4], $0x800  }
0x148: {  	[sflag:s4] =	ssyncset.done @!p0 $0x0  }
0x149: {  	[sflag:s4] =	ssyncadd.s32 @!p0 $0xFFFFF800  }
0x14a: {  	[bflag:$0x0] =	sbarrier.arrive $0xFFFF  }
0x14b: {  	[hbm:s17], [sflag:s31] =	dma.local [spmem:s0], $0xA00  }
0x14c: {  	_ =	swait.ge [sflag:s20], $0xA00  }
0x14d: {  	s30 =	sadd.s32 $0x1, s30;
	[sflag:s20] =	ssyncset.done $0x0  }
0x14e: {  	p1 =	sne.s32 s30, s19;
	[sflag:s20] =	ssyncadd.s32 $0xFFFFF600  }
0x14f: {  	[hbm:s18], [sflag:s31] =	dma.local @!p0 [spmem:s21], $0x280  }
.Ltmp11:
0x150: {  	_ =	swait.ge @!p0 [sflag:s4], $0x280;
	(pc) =	sbr.rel @p1 .LBB2_1-.Ltmp11, $3  }
0x151: {  	[sflag:s4] =	ssyncset.done @!p0 $0x0  }
0x152: {  	[sflag:s4] =	ssyncadd.s32 @!p0 $0xFFFFFD80  }
0x153: {  	[bflag:$0x0] =	sbarrier.arrive $0xFFFF;
	_ =	sdelay $0x1  }
0x154: {  	_ =	sfence.sel $0x180000  }
0x155: {  	[bflag:$0x0] =	sbarrier.arrive $0xFFFF  }
0x156: {  	_ =	strace $0x90000047  }
0x157: {  	s0 =	stileid.u32;
	[bflag:$0x2] =	sbarrier.arrive $0xFFFF  }
0x158: {  	p0 =	sne.s32 s0, $0x0;
	s0 =	rddreg [dreg:$0x4]  }
0x159: {  	s0 =	sadd.s32 @!p0 $0x100000, s0  }
0x15a: {  	[sflag:s0] =	ssyncadd.tile.s32 @!p0 $0x1;
	_ =	shalt  }
.Lfunc_end2:
_tile_overlayer_lowered:
.L_overlay_start_2:
0x15b: {  	(tag) =	ssettag $0x2  }
0x15c: {  	s0 =	rddreg [dreg:$0x0];
	s2 =	stileid.u32  }
0x15d: {  	s1 =	rddreg [dreg:$0x1];
	p0 =	sne.s32 s2, $0x0  }
0x15e: {  	s3 =	rddreg [dreg:$0x2];
	[bflag:$0x3] =	sbarrier.arrive $0xFFFF;
	s2 =	simm.s32 @!p0 $0x1C02  }
0x15f: {  	[timem:s3], [sflag:s2] =	dma.local @!p0 [hbm:s0], s1  }
0x160: {  	s0 =	simm.s32 @!p0 $0x2  }
0x161: {  	_ =	swait.ge @!p0 [sflag:s0], s1  }
0x162: {  	s1 =	ssub.s32 @!p0 $0x0, s1;
	[sflag:s0] =	ssyncset.done @!p0 $0x0  }
0x163: {  	[sflag:s0] =	ssyncadd.s32 @!p0 s1  }
0x164: {  	[bflag:$0x3] =	sbarrier.arrive $0xFFFF  }
0x165: {  	_ =	shalt  }

</sc_bundles>
